<compile_context>
chip_gen: v7x
topology: tpu7x:2x2x1
jax: 0.10.2.dev20260603
libtpu: 0.0.44.dev20260713+nightly
codegen_flags: <defaults>
</compile_context>

<pallas_src>
import functools

import numpy as np
import jax
import jax.numpy as jnp
from jax import lax
from jax.experimental import pallas as pl
from jax.experimental.pallas import tpu as pltpu
from jax.experimental.pallas import tpu_sc as plsc

NUM_FIELDS = 26
FIELD_DIM = 4096
TOTAL_ROWS = NUM_FIELDS * FIELD_DIM
EMBED_DIM = 16
NUM_PAIRS = NUM_FIELDS * (NUM_FIELDS - 1) // 2
NUM_BLOCKS = NUM_PAIRS * 2

NC = 2
NS = 16
NW = NC * NS

RT = FIELD_DIM // 128
KMAX = -(-NUM_BLOCKS // NW)

def _pair_decode(p):
    def step(_, carry):
        i_cur, off = carry
        nxt = off + (NUM_FIELDS - 1 - i_cur)
        take = nxt <= p
        return (jnp.where(take, i_cur + 1, i_cur), jnp.where(take, nxt, off))

    i, off = lax.fori_loop(0, NUM_FIELDS - 1, step, (jnp.int32(0), jnp.int32(0)))
    j = i + 1 + (p - off)
    return i, j


def _rows(g):
    dt = lax.rem(g, 2)
    p = lax.div(g, 2)
    i, j = _pair_decode(p)
    row_a = (j * 2 + dt) * (RT * NUM_FIELDS) + i * RT
    row_b = (i * 2 + dt) * (RT * NUM_FIELDS) + j * RT
    return row_a, row_b, i, j


def _body(tv, xt, out, xa_v, xb_v, a_v, b_v, ov, sem_a, sem_b, sem_out):
    wid = lax.axis_index("s") * NC + lax.axis_index("c")

    def fire_a(g):
        row_a, _, i, _ = _rows(g)
        pltpu.async_copy(tv.at[pl.ds(row_a * 1024, RT * 1024)], a_v, sem_a)
        pltpu.async_copy(xt.at[i], xa_v, sem_a)

    def fire_b(g):
        _, row_b, _, j = _rows(g)
        pltpu.async_copy(tv.at[pl.ds(row_b * 1024, RT * 1024)], b_v, sem_b)
        pltpu.async_copy(xt.at[j], xb_v, sem_b)

    fire_a(wid)
    fire_b(wid)

    @pl.loop(0, KMAX)
    def _k(k):
        g = k * NW + wid

        @pl.when(g < NUM_BLOCKS)
        def _block():
            pltpu.make_async_copy(tv.at[pl.ds(0, RT * 1024)], a_v, sem_a).wait()
            pltpu.make_async_copy(xt.at[0], xa_v, sem_a).wait()

            @pl.when(k > 0)
            def _():
                pltpu.make_async_copy(ov, out.at[0], sem_out).wait()

            @plsc.parallel_loop(0, RT * 8, unroll=8)
            def _bta(q):
                base = jax.lax.shift_left(jax.lax.shift_right_logical(q, 3),
                                          10) + jax.lax.bitwise_and(q, 7) * 16
                fa = xa_v[pl.ds(q * 16, 16)]
                for dl in range(8):
                    va = plsc.load_gather(a_v, [fa + dl * 128])
                    ov[pl.ds(base + dl * 128, 16)] = va

            @pl.when(g + NW < NUM_BLOCKS)
            def _():
                fire_a(g + NW)

            pltpu.make_async_copy(tv.at[pl.ds(0, RT * 1024)], b_v, sem_b).wait()
            pltpu.make_async_copy(xt.at[0], xb_v, sem_b).wait()

            @plsc.parallel_loop(0, RT * 8, unroll=8)
            def _btb(q):
                base = jax.lax.shift_left(jax.lax.shift_right_logical(q, 3),
                                          10) + jax.lax.bitwise_and(q, 7) * 16
                fb = xb_v[pl.ds(q * 16, 16)]
                for dl in range(8):
                    vb = plsc.load_gather(b_v, [fb + dl * 128])
                    pos = pl.ds(base + dl * 128, 16)
                    ov[pos] = ov[pos] * vb

            @pl.when(g + NW < NUM_BLOCKS)
            def _():
                fire_b(g + NW)

            pltpu.async_copy(ov, out.at[g], sem_out)

    pltpu.make_async_copy(ov, out.at[0], sem_out).wait()


def kernel(x, tables):
    batch = x.shape[0]
    xi32 = x.astype(jnp.int32)
    xt = (jax.lax.shift_left(jax.lax.shift_right_logical(xi32, 7), 10)
          + jax.lax.bitwise_and(xi32, 127)).T
    tv = (tables.reshape(NUM_FIELDS, TOTAL_ROWS // 128, 128, 2, 8)
          .transpose(0, 3, 1, 4, 2)
          .reshape(NUM_FIELDS * 2 * (TOTAL_ROWS // 128) * 1024))
    fn = pl.kernel(
        _body,
        out_type=jax.ShapeDtypeStruct((NUM_BLOCKS, batch // 128 * 1024),
                                      jnp.float32),
        mesh=plsc.VectorSubcoreMesh(core_axis_name="c", subcore_axis_name="s"),
        scratch_types=[
            pltpu.VMEM((batch,), jnp.int32),
            pltpu.VMEM((batch,), jnp.int32),
            pltpu.VMEM((RT * 1024,), jnp.float32),
            pltpu.VMEM((RT * 1024,), jnp.float32),
            pltpu.VMEM((batch // 128 * 1024,), jnp.float32),
            pltpu.SemaphoreType.DMA,
            pltpu.SemaphoreType.DMA,
            pltpu.SemaphoreType.DMA,
        ],
        compiler_params=pltpu.CompilerParams(use_tc_tiling_on_sc=False,
                                             needs_layout_passes=False),
    )
    o4 = fn(tv, xt)
    out = (o4.reshape(NUM_PAIRS, 2, batch // 128, 8, 128)
           .transpose(2, 4, 0, 1, 3)
           .reshape(batch, NUM_PAIRS, EMBED_DIM))
    return out

# --- scband reference (transcript-rebuilt; emitter-appended) ---
"""Pipeline reference for scband-field-aware-factorization-machine-6047313953052 (READ-ONLY COPY).

The authoritative reference and input builder live on the scoring server;
editing this copy changes nothing except your own understanding.
"""

import jax, jax.numpy as jnp
import numpy as np

NUM_FIELDS = 26
FIELD_DIM = 4096
TOTAL_ROWS = NUM_FIELDS * FIELD_DIM  # 106496 = sum(field_dims)
EMBED_DIM = 16
BATCH = 4096


def setup_inputs(seed: int = 0) -> dict:
    key = jax.random.key(seed)
    k1, k2 = jax.random.split(key)
    # One embedding table per field, stacked: [num_fields, sum(field_dims), embed_dim]
    # xavier_uniform bound for (TOTAL_ROWS, EMBED_DIM): sqrt(6/(fan_in+fan_out))
    bound = float(np.sqrt(6.0 / (TOTAL_ROWS + EMBED_DIM)))
    tables = jax.random.uniform(k1, (NUM_FIELDS, TOTAL_ROWS, EMBED_DIM),
                                dtype=jnp.float32, minval=-bound, maxval=bound)
    x = jax.random.randint(k2, (BATCH, NUM_FIELDS), 0, FIELD_DIM, dtype=jnp.int64)
    return {"x": x, "tables": tables}


def reference(x, tables):
    # offsets = (0, cumsum(field_dims)[:-1])
    offsets = jnp.arange(NUM_FIELDS, dtype=x.dtype) * FIELD_DIM
    xo = x + offsets[None, :]  # [B, F]
    # xs[i] = embeddings[i](xo) -> [F, B, F, D]
    xs = jax.vmap(lambda t: jnp.take(t, xo, axis=0))(tables)
    ix = []
    for i in range(NUM_FIELDS - 1):
        for j in range(i + 1, NUM_FIELDS):
            ix.append(xs[j][:, i] * xs[i][:, j])
    ix = jnp.stack(ix, axis=1)  # [B, F*(F-1)/2, D]
    return ix

if __name__ == "__main__":
    import jax
    _d = setup_inputs()
    print(jax.jit(kernel)(*tuple(_d.values())))

</pallas_src>

<mosaic_0001>
#map = affine_map<(d0, d1) -> (0)>
#map1 = affine_map<(d0, d1) -> (0, 0)>
module attributes {stable_mosaic.version = 14 : i64} {
  func.func @_body(%arg0: i32, %arg1: i32, %arg2: memref<44302336xf32, #tpu.memory_space<hbm>>, %arg3: memref<26x4096xi32, #tpu.memory_space<hbm>>, %arg4: memref<650x32768xf32, #tpu.memory_space<hbm>>, %arg5: memref<4096xi32, #tpu.memory_space<vmem>>, %arg6: memref<4096xi32, #tpu.memory_space<vmem>>, %arg7: memref<32768xf32, #tpu.memory_space<vmem>>, %arg8: memref<32768xf32, #tpu.memory_space<vmem>>, %arg9: memref<32768xf32, #tpu.memory_space<vmem>>, %arg10: memref<!tpu.dma_semaphore, #tpu.memory_space<semaphore_mem>>, %arg11: memref<!tpu.dma_semaphore, #tpu.memory_space<semaphore_mem>>, %arg12: memref<!tpu.dma_semaphore, #tpu.memory_space<semaphore_mem>>) attributes {dimension_semantics = [#tpu.dimension_semantics<core_parallel>, #tpu.dimension_semantics<subcore_parallel>], iteration_bounds = array<i64: 2, 16>, scalar_prefetch = 0 : i64, scratch_operands = 8 : i64, tpu.core_type = #tpu.core_type<sc_vector_subcore>, window_params = [{transform_indices = #map}, {transform_indices = #map1}, {transform_indices = #map1}]} {
    %mul3A = arith.constant 2 : i32
    %mul3A_0 = arith.muli %arg1, %mul3A : i32
    %add3A = arith.addi %mul3A_0, %arg0 : i32
    %rem3A = arith.constant 2 : i32
    %rem3A_1 = arith.remsi %add3A, %rem3A : i32
    %div3A = arith.constant 2 : i32
    %div3A_2 = arith.divsi %add3A, %div3A : i32
    %scan3A = arith.constant 0 : i32
    %scan3A_3 = arith.constant 0 : i32
    %scan3A_4 = arith.constant 0 : i32
    %scan3A_5 = arith.constant 25 : i32
    %scan3A_6 = arith.addi %scan3A_4, %scan3A_5 : i32
    %scan3A_7 = arith.constant 1 : i32
    %scan3A_8:2 = scf.for %scan3A_91 = %scan3A_4 to %scan3A_6 step %scan3A_7 iter_args(%scan3A_92 = %scan3A, %scan3A_93 = %scan3A_3) -> (i32, i32)  : i32 {
      %sub3A_94 = arith.constant 25 : i32
      %sub3A_95 = arith.subi %sub3A_94, %scan3A_92 : i32
      %add3A_96 = arith.addi %scan3A_93, %sub3A_95 : i32
      %le3A = arith.cmpi sle, %add3A_96, %div3A_2 : i32
      %add3A_97 = arith.constant 1 : i32
      %add3A_98 = arith.addi %scan3A_92, %add3A_97 : i32
      %select_n3A = arith.select %le3A, %add3A_98, %scan3A_92 : i32
      %select_n3A_99 = arith.select %le3A, %add3A_96, %scan3A_93 : i32
      scf.yield %select_n3A, %select_n3A_99 : i32, i32
    }
    %scan3A_9 = arith.constant 25 : i32
    %add3A_10 = arith.constant 1 : i32
    %add3A_11 = arith.addi %scan3A_8#0, %add3A_10 : i32
    %sub3A = arith.subi %div3A_2, %scan3A_8#1 : i32
    %add3A_12 = arith.addi %add3A_11, %sub3A : i32
    %mul3A_13 = arith.constant 2 : i32
    %mul3A_14 = arith.muli %add3A_12, %mul3A_13 : i32
    %add3A_15 = arith.addi %mul3A_14, %rem3A_1 : i32
    %mul3A_16 = arith.constant 832 : i32
    %mul3A_17 = arith.muli %add3A_15, %mul3A_16 : i32
    %mul3A_18 = arith.constant 32 : i32
    %mul3A_19 = arith.muli %scan3A_8#0, %mul3A_18 : i32
    %add3A_20 = arith.addi %mul3A_17, %mul3A_19 : i32
    %mul3A_21 = arith.constant 2 : i32
    %mul3A_22 = arith.muli %scan3A_8#0, %mul3A_21 : i32
    %add3A_23 = arith.addi %mul3A_22, %rem3A_1 : i32
    %mul3A_24 = arith.constant 832 : i32
    %mul3A_25 = arith.muli %add3A_23, %mul3A_24 : i32
    %mul3A_26 = arith.constant 32 : i32
    %mul3A_27 = arith.muli %add3A_12, %mul3A_26 : i32
    %add3A_28 = arith.addi %mul3A_25, %mul3A_27 : i32
    %mul3A_29 = arith.constant 1024 : i32
    %mul3A_30 = arith.muli %add3A_20, %mul3A_29 : i32
    %dma_start3A = tpu.memref_slice %arg2[%mul3A_30] : memref<44302336xf32, #tpu.memory_space<hbm>> -> memref<32768xf32, #tpu.memory_space<hbm>>
    %dma_start3A_31 = tpu.memref_slice %arg2[%mul3A_30] : memref<44302336xf32, #tpu.memory_space<hbm>> -> memref<32768xf32, #tpu.memory_space<hbm>>
    tpu.enqueue_dma source(%dma_start3A_31 : memref<32768xf32, #tpu.memory_space<hbm>>) target(%arg7 : memref<32768xf32, #tpu.memory_space<vmem>>) target_semaphore(%arg10 : memref<!tpu.dma_semaphore, #tpu.memory_space<semaphore_mem>>)
    %dma_start3A_32 = arith.constant 0 : i32
    %dma_start3A_33 = tpu.memref_slice %arg3[%scan3A_8#0, %dma_start3A_32] : memref<26x4096xi32, #tpu.memory_space<hbm>> -> memref<1x4096xi32, #tpu.memory_space<hbm>>
    %dma_start3A_34 = tpu.memref_squeeze %dma_start3A_33 : memref<1x4096xi32, #tpu.memory_space<hbm>> -> memref<4096xi32, #tpu.memory_space<hbm>>
    %dma_start3A_35 = arith.constant 0 : i32
    %dma_start3A_36 = tpu.memref_slice %arg3[%scan3A_8#0, %dma_start3A_35] : memref<26x4096xi32, #tpu.memory_space<hbm>> -> memref<1x4096xi32, #tpu.memory_space<hbm>>
    %dma_start3A_37 = tpu.memref_squeeze %dma_start3A_36 : memref<1x4096xi32, #tpu.memory_space<hbm>> -> memref<4096xi32, #tpu.memory_space<hbm>>
    tpu.enqueue_dma source(%dma_start3A_37 : memref<4096xi32, #tpu.memory_space<hbm>>) target(%arg5 : memref<4096xi32, #tpu.memory_space<vmem>>) target_semaphore(%arg10 : memref<!tpu.dma_semaphore, #tpu.memory_space<semaphore_mem>>)
    %rem3A_38 = arith.constant 2 : i32
    %rem3A_39 = arith.remsi %add3A, %rem3A_38 : i32
    %div3A_40 = arith.constant 2 : i32
    %div3A_41 = arith.divsi %add3A, %div3A_40 : i32
    %scan3A_42 = arith.constant 0 : i32
    %scan3A_43 = arith.constant 0 : i32
    %scan3A_44 = arith.constant 0 : i32
    %scan3A_45 = arith.constant 25 : i32
    %scan3A_46 = arith.addi %scan3A_44, %scan3A_45 : i32
    %scan3A_47 = arith.constant 1 : i32
    %scan3A_48:2 = scf.for %scan3A_91 = %scan3A_44 to %scan3A_46 step %scan3A_47 iter_args(%scan3A_92 = %scan3A_42, %scan3A_93 = %scan3A_43) -> (i32, i32)  : i32 {
      %sub3A_94 = arith.constant 25 : i32
      %sub3A_95 = arith.subi %sub3A_94, %scan3A_92 : i32
      %add3A_96 = arith.addi %scan3A_93, %sub3A_95 : i32
      %le3A = arith.cmpi sle, %add3A_96, %div3A_41 : i32
      %add3A_97 = arith.constant 1 : i32
      %add3A_98 = arith.addi %scan3A_92, %add3A_97 : i32
      %select_n3A = arith.select %le3A, %add3A_98, %scan3A_92 : i32
      %select_n3A_99 = arith.select %le3A, %add3A_96, %scan3A_93 : i32
      scf.yield %select_n3A, %select_n3A_99 : i32, i32
    }
    %scan3A_49 = arith.constant 25 : i32
    %add3A_50 = arith.constant 1 : i32
    %add3A_51 = arith.addi %scan3A_48#0, %add3A_50 : i32
    %sub3A_52 = arith.subi %div3A_41, %scan3A_48#1 : i32
    %add3A_53 = arith.addi %add3A_51, %sub3A_52 : i32
    %mul3A_54 = arith.constant 2 : i32
    %mul3A_55 = arith.muli %add3A_53, %mul3A_54 : i32
    %add3A_56 = arith.addi %mul3A_55, %rem3A_39 : i32
    %mul3A_57 = arith.constant 832 : i32
    %mul3A_58 = arith.muli %add3A_56, %mul3A_57 : i32
    %mul3A_59 = arith.constant 32 : i32
    %mul3A_60 = arith.muli %scan3A_48#0, %mul3A_59 : i32
    %add3A_61 = arith.addi %mul3A_58, %mul3A_60 : i32
    %mul3A_62 = arith.constant 2 : i32
    %mul3A_63 = arith.muli %scan3A_48#0, %mul3A_62 : i32
    %add3A_64 = arith.addi %mul3A_63, %rem3A_39 : i32
    %mul3A_65 = arith.constant 832 : i32
    %mul3A_66 = arith.muli %add3A_64, %mul3A_65 : i32
    %mul3A_67 = arith.constant 32 : i32
    %mul3A_68 = arith.muli %add3A_53, %mul3A_67 : i32
    %add3A_69 = arith.addi %mul3A_66, %mul3A_68 : i32
    %mul3A_70 = arith.constant 1024 : i32
    %mul3A_71 = arith.muli %add3A_69, %mul3A_70 : i32
    %dma_start3A_72 = tpu.memref_slice %arg2[%mul3A_71] : memref<44302336xf32, #tpu.memory_space<hbm>> -> memref<32768xf32, #tpu.memory_space<hbm>>
    %dma_start3A_73 = tpu.memref_slice %arg2[%mul3A_71] : memref<44302336xf32, #tpu.memory_space<hbm>> -> memref<32768xf32, #tpu.memory_space<hbm>>
    tpu.enqueue_dma source(%dma_start3A_73 : memref<32768xf32, #tpu.memory_space<hbm>>) target(%arg8 : memref<32768xf32, #tpu.memory_space<vmem>>) target_semaphore(%arg11 : memref<!tpu.dma_semaphore, #tpu.memory_space<semaphore_mem>>)
    %dma_start3A_74 = arith.constant 0 : i32
    %dma_start3A_75 = tpu.memref_slice %arg3[%add3A_53, %dma_start3A_74] : memref<26x4096xi32, #tpu.memory_space<hbm>> -> memref<1x4096xi32, #tpu.memory_space<hbm>>
    %dma_start3A_76 = tpu.memref_squeeze %dma_start3A_75 : memref<1x4096xi32, #tpu.memory_space<hbm>> -> memref<4096xi32, #tpu.memory_space<hbm>>
    %dma_start3A_77 = arith.constant 0 : i32
    %dma_start3A_78 = tpu.memref_slice %arg3[%add3A_53, %dma_start3A_77] : memref<26x4096xi32, #tpu.memory_space<hbm>> -> memref<1x4096xi32, #tpu.memory_space<hbm>>
    %dma_start3A_79 = tpu.memref_squeeze %dma_start3A_78 : memref<1x4096xi32, #tpu.memory_space<hbm>> -> memref<4096xi32, #tpu.memory_space<hbm>>
    tpu.enqueue_dma source(%dma_start3A_79 : memref<4096xi32, #tpu.memory_space<hbm>>) target(%arg6 : memref<4096xi32, #tpu.memory_space<vmem>>) target_semaphore(%arg11 : memref<!tpu.dma_semaphore, #tpu.memory_space<semaphore_mem>>)
    %scan3A_80 = arith.constant 0 : i32
    %scan3A_81 = arith.constant 21 : i32
    %scan3A_82 = arith.addi %scan3A_80, %scan3A_81 : i32
    %scan3A_83 = arith.constant 1 : i32
    scf.for %scan3A_91 = %scan3A_80 to %scan3A_82 step %scan3A_83  : i32 {
      %mul3A_92 = arith.constant 1 : i32
      %mul3A_93 = arith.muli %scan3A_91, %mul3A_92 : i32
      %add3A_94 = arith.constant 0 : i32
      %add3A_95 = arith.addi %add3A_94, %mul3A_93 : i32
      %mul3A_96 = arith.constant 32 : i32
      %mul3A_97 = arith.muli %add3A_95, %mul3A_96 : i32
      %add3A_98 = arith.addi %mul3A_97, %add3A : i32
      %lt3A = arith.constant 650 : i32
      %lt3A_99 = arith.cmpi slt, %add3A_98, %lt3A : i32
      %convert_element_type3A = arith.extui %lt3A_99 : i1 to i32
      %cond3A = arith.constant 0 : i32
      %cond3A_100 = arith.cmpi ne, %convert_element_type3A, %cond3A : i32
      scf.if %cond3A_100 {
        %dma_wait3A_101 = arith.constant 0 : i32
        %dma_wait3A_102 = tpu.memref_slice %arg2[%dma_wait3A_101] : memref<44302336xf32, #tpu.memory_space<hbm>> -> memref<32768xf32, #tpu.memory_space<hbm>>
        %dma_wait3A_103 = arith.constant 0 : i32
        %dma_wait3A_104 = tpu.memref_slice %arg2[%dma_wait3A_103] : memref<44302336xf32, #tpu.memory_space<hbm>> -> memref<32768xf32, #tpu.memory_space<hbm>>
        tpu.wait_dma2 semaphore(%arg10 : memref<!tpu.dma_semaphore, #tpu.memory_space<semaphore_mem>>) src(%dma_wait3A_104 : memref<32768xf32, #tpu.memory_space<hbm>>) dst(%arg7 : memref<32768xf32, #tpu.memory_space<vmem>>)
        %dma_wait3A_105 = arith.constant 0 : i32
        %dma_wait3A_106 = arith.constant 0 : i32
        %dma_wait3A_107 = tpu.memref_slice %arg3[%dma_wait3A_105, %dma_wait3A_106] : memref<26x4096xi32, #tpu.memory_space<hbm>> -> memref<1x4096xi32, #tpu.memory_space<hbm>>
        %dma_wait3A_108 = tpu.memref_squeeze %dma_wait3A_107 : memref<1x4096xi32, #tpu.memory_space<hbm>> -> memref<4096xi32, #tpu.memory_space<hbm>>
        %dma_wait3A_109 = arith.constant 0 : i32
        %dma_wait3A_110 = tpu.memref_slice %arg3[%dma_wait3A_105, %dma_wait3A_109] : memref<26x4096xi32, #tpu.memory_space<hbm>> -> memref<1x4096xi32, #tpu.memory_space<hbm>>
        %dma_wait3A_111 = tpu.memref_squeeze %dma_wait3A_110 : memref<1x4096xi32, #tpu.memory_space<hbm>> -> memref<4096xi32, #tpu.memory_space<hbm>>
        tpu.wait_dma2 semaphore(%arg10 : memref<!tpu.dma_semaphore, #tpu.memory_space<semaphore_mem>>) src(%dma_wait3A_111 : memref<4096xi32, #tpu.memory_space<hbm>>) dst(%arg5 : memref<4096xi32, #tpu.memory_space<vmem>>)
        %gt3A = arith.constant 0 : i32
        %gt3A_112 = arith.cmpi sgt, %add3A_95, %gt3A : i32
        %convert_element_type3A_113 = arith.extui %gt3A_112 : i1 to i32
        %cond3A_114 = arith.constant 0 : i32
        %cond3A_115 = arith.cmpi ne, %convert_element_type3A_113, %cond3A_114 : i32
        scf.if %cond3A_115 {
          %dma_wait3A_152 = arith.constant 0 : i32
          %dma_wait3A_153 = arith.constant 0 : i32
          %dma_wait3A_154 = tpu.memref_slice %arg4[%dma_wait3A_152, %dma_wait3A_153] : memref<650x32768xf32, #tpu.memory_space<hbm>> -> memref<1x32768xf32, #tpu.memory_space<hbm>>
          %dma_wait3A_155 = tpu.memref_squeeze %dma_wait3A_154 : memref<1x32768xf32, #tpu.memory_space<hbm>> -> memref<32768xf32, #tpu.memory_space<hbm>>
          %dma_wait3A_156 = arith.constant 0 : i32
          %dma_wait3A_157 = tpu.memref_slice %arg4[%dma_wait3A_152, %dma_wait3A_156] : memref<650x32768xf32, #tpu.memory_space<hbm>> -> memref<1x32768xf32, #tpu.memory_space<hbm>>
          %dma_wait3A_158 = tpu.memref_squeeze %dma_wait3A_157 : memref<1x32768xf32, #tpu.memory_space<hbm>> -> memref<32768xf32, #tpu.memory_space<hbm>>
          tpu.wait_dma2 semaphore(%arg12 : memref<!tpu.dma_semaphore, #tpu.memory_space<semaphore_mem>>) src(%arg9 : memref<32768xf32, #tpu.memory_space<vmem>>) dst(%dma_wait3A_158 : memref<32768xf32, #tpu.memory_space<hbm>>)
        } else {
        }
        %parallel_loop3A = arith.constant 0 : i32
        %parallel_loop3A_116 = arith.constant 256 : i32
        %parallel_loop3A_117 = arith.constant 1 : i32
        scf.for %parallel_loop3A_152 = %parallel_loop3A to %parallel_loop3A_116 step %parallel_loop3A_117  : i32 {
          %parallel_loop3A_153 = arith.constant 3 : i32
          %parallel_loop3A_154 = arith.shrui %parallel_loop3A_152, %parallel_loop3A_153 : i32
          %parallel_loop3A_155 = arith.constant 10 : i32
          %parallel_loop3A_156 = arith.shli %parallel_loop3A_154, %parallel_loop3A_155 : i32
          %parallel_loop3A_157 = arith.constant 7 : i32
          %parallel_loop3A_158 = arith.andi %parallel_loop3A_152, %parallel_loop3A_157 : i32
          %parallel_loop3A_159 = arith.constant 16 : i32
          %parallel_loop3A_160 = arith.muli %parallel_loop3A_158, %parallel_loop3A_159 : i32
          %parallel_loop3A_161 = arith.addi %parallel_loop3A_156, %parallel_loop3A_160 : i32
          %parallel_loop3A_162 = arith.constant 16 : i32
          %parallel_loop3A_163 = arith.muli %parallel_loop3A_152, %parallel_loop3A_162 : i32
          %parallel_loop3A_164 = arith.index_cast %parallel_loop3A_163 : i32 to index
          %parallel_loop3A_165 = tpu.vector_load %arg5[%parallel_loop3A_164] {strides = array<i32>} : memref<4096xi32, #tpu.memory_space<vmem>>, vector<16xi32>,
          %parallel_loop3A_166 = arith.constant 0 : i32
          %parallel_loop3A_167 = vector.broadcast %parallel_loop3A_166 : i32 to vector<16xi32>
          %parallel_loop3A_168 = arith.addi %parallel_loop3A_165, %parallel_loop3A_167 : vector<16xi32>
          %parallel_loop3A_169 = tpu.vector_load_idx %arg7[%parallel_loop3A_168] : memref<32768xf32, #tpu.memory_space<vmem>>[vector<16xi32>], vector<16xf32>,
          %parallel_loop3A_170 = arith.constant 0 : i32
          %parallel_loop3A_171 = arith.addi %parallel_loop3A_161, %parallel_loop3A_170 : i32
          %parallel_loop3A_172 = arith.index_cast %parallel_loop3A_171 : i32 to index
          %parallel_loop3A_173 = tpu.vector_load %arg9[%parallel_loop3A_172] {strides = array<i32>} : memref<32768xf32, #tpu.memory_space<vmem>>, vector<16xf32>,
          tpu.vector_store %arg9[%parallel_loop3A_172], %parallel_loop3A_169 {strides = array<i32>} : memref<32768xf32, #tpu.memory_space<vmem>>, vector<16xf32>,
          %parallel_loop3A_174 = arith.constant 128 : i32
          %parallel_loop3A_175 = vector.broadcast %parallel_loop3A_174 : i32 to vector<16xi32>
          %parallel_loop3A_176 = arith.addi %parallel_loop3A_165, %parallel_loop3A_175 : vector<16xi32>
          %parallel_loop3A_177 = tpu.vector_load_idx %arg7[%parallel_loop3A_176] : memref<32768xf32, #tpu.memory_space<vmem>>[vector<16xi32>], vector<16xf32>,
          %parallel_loop3A_178 = arith.constant 128 : i32
          %parallel_loop3A_179 = arith.addi %parallel_loop3A_161, %parallel_loop3A_178 : i32
          %parallel_loop3A_180 = arith.index_cast %parallel_loop3A_179 : i32 to index
          %parallel_loop3A_181 = tpu.vector_load %arg9[%parallel_loop3A_180] {strides = array<i32>} : memref<32768xf32, #tpu.memory_space<vmem>>, vector<16xf32>,
          tpu.vector_store %arg9[%parallel_loop3A_180], %parallel_loop3A_177 {strides = array<i32>} : memref<32768xf32, #tpu.memory_space<vmem>>, vector<16xf32>,
          %parallel_loop3A_182 = arith.constant 256 : i32
          %parallel_loop3A_183 = vector.broadcast %parallel_loop3A_182 : i32 to vector<16xi32>
          %parallel_loop3A_184 = arith.addi %parallel_loop3A_165, %parallel_loop3A_183 : vector<16xi32>
          %parallel_loop3A_185 = tpu.vector_load_idx %arg7[%parallel_loop3A_184] : memref<32768xf32, #tpu.memory_space<vmem>>[vector<16xi32>], vector<16xf32>,
          %parallel_loop3A_186 = arith.constant 256 : i32
          %parallel_loop3A_187 = arith.addi %parallel_loop3A_161, %parallel_loop3A_186 : i32
          %parallel_loop3A_188 = arith.index_cast %parallel_loop3A_187 : i32 to index
          %parallel_loop3A_189 = tpu.vector_load %arg9[%parallel_loop3A_188] {strides = array<i32>} : memref<32768xf32, #tpu.memory_space<vmem>>, vector<16xf32>,
          tpu.vector_store %arg9[%parallel_loop3A_188], %parallel_loop3A_185 {strides = array<i32>} : memref<32768xf32, #tpu.memory_space<vmem>>, vector<16xf32>,
          %parallel_loop3A_190 = arith.constant 384 : i32
          %parallel_loop3A_191 = vector.broadcast %parallel_loop3A_190 : i32 to vector<16xi32>
          %parallel_loop3A_192 = arith.addi %parallel_loop3A_165, %parallel_loop3A_191 : vector<16xi32>
          %parallel_loop3A_193 = tpu.vector_load_idx %arg7[%parallel_loop3A_192] : memref<32768xf32, #tpu.memory_space<vmem>>[vector<16xi32>], vector<16xf32>,
          %parallel_loop3A_194 = arith.constant 384 : i32
          %parallel_loop3A_195 = arith.addi %parallel_loop3A_161, %parallel_loop3A_194 : i32
          %parallel_loop3A_196 = arith.index_cast %parallel_loop3A_195 : i32 to index
          %parallel_loop3A_197 = tpu.vector_load %arg9[%parallel_loop3A_196] {strides = array<i32>} : memref<32768xf32, #tpu.memory_space<vmem>>, vector<16xf32>,
          tpu.vector_store %arg9[%parallel_loop3A_196], %parallel_loop3A_193 {strides = array<i32>} : memref<32768xf32, #tpu.memory_space<vmem>>, vector<16xf32>,
          %parallel_loop3A_198 = arith.constant 512 : i32
          %parallel_loop3A_199 = vector.broadcast %parallel_loop3A_198 : i32 to vector<16xi32>
          %parallel_loop3A_200 = arith.addi %parallel_loop3A_165, %parallel_loop3A_199 : vector<16xi32>
          %parallel_loop3A_201 = tpu.vector_load_idx %arg7[%parallel_loop3A_200] : memref<32768xf32, #tpu.memory_space<vmem>>[vector<16xi32>], vector<16xf32>,
          %parallel_loop3A_202 = arith.constant 512 : i32
          %parallel_loop3A_203 = arith.addi %parallel_loop3A_161, %parallel_loop3A_202 : i32
          %parallel_loop3A_204 = arith.index_cast %parallel_loop3A_203 : i32 to index
          %parallel_loop3A_205 = tpu.vector_load %arg9[%parallel_loop3A_204] {strides = array<i32>} : memref<32768xf32, #tpu.memory_space<vmem>>, vector<16xf32>,
          tpu.vector_store %arg9[%parallel_loop3A_204], %parallel_loop3A_201 {strides = array<i32>} : memref<32768xf32, #tpu.memory_space<vmem>>, vector<16xf32>,
          %parallel_loop3A_206 = arith.constant 640 : i32
          %parallel_loop3A_207 = vector.broadcast %parallel_loop3A_206 : i32 to vector<16xi32>
          %parallel_loop3A_208 = arith.addi %parallel_loop3A_165, %parallel_loop3A_207 : vector<16xi32>
          %parallel_loop3A_209 = tpu.vector_load_idx %arg7[%parallel_loop3A_208] : memref<32768xf32, #tpu.memory_space<vmem>>[vector<16xi32>], vector<16xf32>,
          %parallel_loop3A_210 = arith.constant 640 : i32
          %parallel_loop3A_211 = arith.addi %parallel_loop3A_161, %parallel_loop3A_210 : i32
          %parallel_loop3A_212 = arith.index_cast %parallel_loop3A_211 : i32 to index
          %parallel_loop3A_213 = tpu.vector_load %arg9[%parallel_loop3A_212] {strides = array<i32>} : memref<32768xf32, #tpu.memory_space<vmem>>, vector<16xf32>,
          tpu.vector_store %arg9[%parallel_loop3A_212], %parallel_loop3A_209 {strides = array<i32>} : memref<32768xf32, #tpu.memory_space<vmem>>, vector<16xf32>,
          %parallel_loop3A_214 = arith.constant 768 : i32
          %parallel_loop3A_215 = vector.broadcast %parallel_loop3A_214 : i32 to vector<16xi32>
          %parallel_loop3A_216 = arith.addi %parallel_loop3A_165, %parallel_loop3A_215 : vector<16xi32>
          %parallel_loop3A_217 = tpu.vector_load_idx %arg7[%parallel_loop3A_216] : memref<32768xf32, #tpu.memory_space<vmem>>[vector<16xi32>], vector<16xf32>,
          %parallel_loop3A_218 = arith.constant 768 : i32
          %parallel_loop3A_219 = arith.addi %parallel_loop3A_161, %parallel_loop3A_218 : i32
          %parallel_loop3A_220 = arith.index_cast %parallel_loop3A_219 : i32 to index
          %parallel_loop3A_221 = tpu.vector_load %arg9[%parallel_loop3A_220] {strides = array<i32>} : memref<32768xf32, #tpu.memory_space<vmem>>, vector<16xf32>,
          tpu.vector_store %arg9[%parallel_loop3A_220], %parallel_loop3A_217 {strides = array<i32>} : memref<32768xf32, #tpu.memory_space<vmem>>, vector<16xf32>,
          %parallel_loop3A_222 = arith.constant 896 : i32
          %parallel_loop3A_223 = vector.broadcast %parallel_loop3A_222 : i32 to vector<16xi32>
          %parallel_loop3A_224 = arith.addi %parallel_loop3A_165, %parallel_loop3A_223 : vector<16xi32>
          %parallel_loop3A_225 = tpu.vector_load_idx %arg7[%parallel_loop3A_224] : memref<32768xf32, #tpu.memory_space<vmem>>[vector<16xi32>], vector<16xf32>,
          %parallel_loop3A_226 = arith.constant 896 : i32
          %parallel_loop3A_227 = arith.addi %parallel_loop3A_161, %parallel_loop3A_226 : i32
          %parallel_loop3A_228 = arith.index_cast %parallel_loop3A_227 : i32 to index
          %parallel_loop3A_229 = tpu.vector_load %arg9[%parallel_loop3A_228] {strides = array<i32>} : memref<32768xf32, #tpu.memory_space<vmem>>, vector<16xf32>,
          tpu.vector_store %arg9[%parallel_loop3A_228], %parallel_loop3A_225 {strides = array<i32>} : memref<32768xf32, #tpu.memory_space<vmem>>, vector<16xf32>,
        } {sc.loop_unroll_factor = 8 : i64, sc.parallel_access}
        %add3A_118 = arith.constant 32 : i32
        %add3A_119 = arith.addi %add3A_98, %add3A_118 : i32
        %lt3A_120 = arith.constant 650 : i32
        %lt3A_121 = arith.cmpi slt, %add3A_119, %lt3A_120 : i32
        %convert_element_type3A_122 = arith.extui %lt3A_121 : i1 to i32
        %cond3A_123 = arith.constant 0 : i32
        %cond3A_124 = arith.cmpi ne, %convert_element_type3A_122, %cond3A_123 : i32
        scf.if %cond3A_124 {
          %add3A_152 = arith.constant 32 : i32
          %add3A_153 = arith.addi %add3A_98, %add3A_152 : i32
          %rem3A_154 = arith.constant 2 : i32
          %rem3A_155 = arith.remsi %add3A_153, %rem3A_154 : i32
          %div3A_156 = arith.constant 2 : i32
          %div3A_157 = arith.divsi %add3A_153, %div3A_156 : i32
          %scan3A_158 = arith.constant 0 : i32
          %scan3A_159 = arith.constant 0 : i32
          %scan3A_160 = arith.constant 0 : i32
          %scan3A_161 = arith.constant 25 : i32
          %scan3A_162 = arith.addi %scan3A_160, %scan3A_161 : i32
          %scan3A_163 = arith.constant 1 : i32
          %scan3A_164:2 = scf.for %scan3A_196 = %scan3A_160 to %scan3A_162 step %scan3A_163 iter_args(%scan3A_197 = %scan3A_158, %scan3A_198 = %scan3A_159) -> (i32, i32)  : i32 {
            %sub3A_199 = arith.constant 25 : i32
            %sub3A_200 = arith.subi %sub3A_199, %scan3A_197 : i32
            %add3A_201 = arith.addi %scan3A_198, %sub3A_200 : i32
            %le3A = arith.cmpi sle, %add3A_201, %div3A_157 : i32
            %add3A_202 = arith.constant 1 : i32
            %add3A_203 = arith.addi %scan3A_197, %add3A_202 : i32
            %select_n3A = arith.select %le3A, %add3A_203, %scan3A_197 : i32
            %select_n3A_204 = arith.select %le3A, %add3A_201, %scan3A_198 : i32
            scf.yield %select_n3A, %select_n3A_204 : i32, i32
          }
          %scan3A_165 = arith.constant 25 : i32
          %add3A_166 = arith.constant 1 : i32
          %add3A_167 = arith.addi %scan3A_164#0, %add3A_166 : i32
          %sub3A_168 = arith.subi %div3A_157, %scan3A_164#1 : i32
          %add3A_169 = arith.addi %add3A_167, %sub3A_168 : i32
          %mul3A_170 = arith.constant 2 : i32
          %mul3A_171 = arith.muli %add3A_169, %mul3A_170 : i32
          %add3A_172 = arith.addi %mul3A_171, %rem3A_155 : i32
          %mul3A_173 = arith.constant 832 : i32
          %mul3A_174 = arith.muli %add3A_172, %mul3A_173 : i32
          %mul3A_175 = arith.constant 32 : i32
          %mul3A_176 = arith.muli %scan3A_164#0, %mul3A_175 : i32
          %add3A_177 = arith.addi %mul3A_174, %mul3A_176 : i32
          %mul3A_178 = arith.constant 2 : i32
          %mul3A_179 = arith.muli %scan3A_164#0, %mul3A_178 : i32
          %add3A_180 = arith.addi %mul3A_179, %rem3A_155 : i32
          %mul3A_181 = arith.constant 832 : i32
          %mul3A_182 = arith.muli %add3A_180, %mul3A_181 : i32
          %mul3A_183 = arith.constant 32 : i32
          %mul3A_184 = arith.muli %add3A_169, %mul3A_183 : i32
          %add3A_185 = arith.addi %mul3A_182, %mul3A_184 : i32
          %mul3A_186 = arith.constant 1024 : i32
          %mul3A_187 = arith.muli %add3A_177, %mul3A_186 : i32
          %dma_start3A_188 = tpu.memref_slice %arg2[%mul3A_187] : memref<44302336xf32, #tpu.memory_space<hbm>> -> memref<32768xf32, #tpu.memory_space<hbm>>
          %dma_start3A_189 = tpu.memref_slice %arg2[%mul3A_187] : memref<44302336xf32, #tpu.memory_space<hbm>> -> memref<32768xf32, #tpu.memory_space<hbm>>
          tpu.enqueue_dma source(%dma_start3A_189 : memref<32768xf32, #tpu.memory_space<hbm>>) target(%arg7 : memref<32768xf32, #tpu.memory_space<vmem>>) target_semaphore(%arg10 : memref<!tpu.dma_semaphore, #tpu.memory_space<semaphore_mem>>)
          %dma_start3A_190 = arith.constant 0 : i32
          %dma_start3A_191 = tpu.memref_slice %arg3[%scan3A_164#0, %dma_start3A_190] : memref<26x4096xi32, #tpu.memory_space<hbm>> -> memref<1x4096xi32, #tpu.memory_space<hbm>>
          %dma_start3A_192 = tpu.memref_squeeze %dma_start3A_191 : memref<1x4096xi32, #tpu.memory_space<hbm>> -> memref<4096xi32, #tpu.memory_space<hbm>>
          %dma_start3A_193 = arith.constant 0 : i32
          %dma_start3A_194 = tpu.memref_slice %arg3[%scan3A_164#0, %dma_start3A_193] : memref<26x4096xi32, #tpu.memory_space<hbm>> -> memref<1x4096xi32, #tpu.memory_space<hbm>>
          %dma_start3A_195 = tpu.memref_squeeze %dma_start3A_194 : memref<1x4096xi32, #tpu.memory_space<hbm>> -> memref<4096xi32, #tpu.memory_space<hbm>>
          tpu.enqueue_dma source(%dma_start3A_195 : memref<4096xi32, #tpu.memory_space<hbm>>) target(%arg5 : memref<4096xi32, #tpu.memory_space<vmem>>) target_semaphore(%arg10 : memref<!tpu.dma_semaphore, #tpu.memory_space<semaphore_mem>>)
        } else {
        }
        %dma_wait3A_125 = arith.constant 0 : i32
        %dma_wait3A_126 = tpu.memref_slice %arg2[%dma_wait3A_125] : memref<44302336xf32, #tpu.memory_space<hbm>> -> memref<32768xf32, #tpu.memory_space<hbm>>
        %dma_wait3A_127 = arith.constant 0 : i32
        %dma_wait3A_128 = tpu.memref_slice %arg2[%dma_wait3A_127] : memref<44302336xf32, #tpu.memory_space<hbm>> -> memref<32768xf32, #tpu.memory_space<hbm>>
        tpu.wait_dma2 semaphore(%arg11 : memref<!tpu.dma_semaphore, #tpu.memory_space<semaphore_mem>>) src(%dma_wait3A_128 : memref<32768xf32, #tpu.memory_space<hbm>>) dst(%arg8 : memref<32768xf32, #tpu.memory_space<vmem>>)
        %dma_wait3A_129 = arith.constant 0 : i32
        %dma_wait3A_130 = arith.constant 0 : i32
        %dma_wait3A_131 = tpu.memref_slice %arg3[%dma_wait3A_129, %dma_wait3A_130] : memref<26x4096xi32, #tpu.memory_space<hbm>> -> memref<1x4096xi32, #tpu.memory_space<hbm>>
        %dma_wait3A_132 = tpu.memref_squeeze %dma_wait3A_131 : memref<1x4096xi32, #tpu.memory_space<hbm>> -> memref<4096xi32, #tpu.memory_space<hbm>>
        %dma_wait3A_133 = arith.constant 0 : i32
        %dma_wait3A_134 = tpu.memref_slice %arg3[%dma_wait3A_129, %dma_wait3A_133] : memref<26x4096xi32, #tpu.memory_space<hbm>> -> memref<1x4096xi32, #tpu.memory_space<hbm>>
        %dma_wait3A_135 = tpu.memref_squeeze %dma_wait3A_134 : memref<1x4096xi32, #tpu.memory_space<hbm>> -> memref<4096xi32, #tpu.memory_space<hbm>>
        tpu.wait_dma2 semaphore(%arg11 : memref<!tpu.dma_semaphore, #tpu.memory_space<semaphore_mem>>) src(%dma_wait3A_135 : memref<4096xi32, #tpu.memory_space<hbm>>) dst(%arg6 : memref<4096xi32, #tpu.memory_space<vmem>>)
        %parallel_loop3A_136 = arith.constant 0 : i32
        %parallel_loop3A_137 = arith.constant 256 : i32
        %parallel_loop3A_138 = arith.constant 1 : i32
        scf.for %parallel_loop3A_152 = %parallel_loop3A_136 to %parallel_loop3A_137 step %parallel_loop3A_138  : i32 {
          %parallel_loop3A_153 = arith.constant 3 : i32
          %parallel_loop3A_154 = arith.shrui %parallel_loop3A_152, %parallel_loop3A_153 : i32
          %parallel_loop3A_155 = arith.constant 10 : i32
          %parallel_loop3A_156 = arith.shli %parallel_loop3A_154, %parallel_loop3A_155 : i32
          %parallel_loop3A_157 = arith.constant 7 : i32
          %parallel_loop3A_158 = arith.andi %parallel_loop3A_152, %parallel_loop3A_157 : i32
          %parallel_loop3A_159 = arith.constant 16 : i32
          %parallel_loop3A_160 = arith.muli %parallel_loop3A_158, %parallel_loop3A_159 : i32
          %parallel_loop3A_161 = arith.addi %parallel_loop3A_156, %parallel_loop3A_160 : i32
          %parallel_loop3A_162 = arith.constant 16 : i32
          %parallel_loop3A_163 = arith.muli %parallel_loop3A_152, %parallel_loop3A_162 : i32
          %parallel_loop3A_164 = arith.index_cast %parallel_loop3A_163 : i32 to index
          %parallel_loop3A_165 = tpu.vector_load %arg6[%parallel_loop3A_164] {strides = array<i32>} : memref<4096xi32, #tpu.memory_space<vmem>>, vector<16xi32>,
          %parallel_loop3A_166 = arith.constant 0 : i32
          %parallel_loop3A_167 = vector.broadcast %parallel_loop3A_166 : i32 to vector<16xi32>
          %parallel_loop3A_168 = arith.addi %parallel_loop3A_165, %parallel_loop3A_167 : vector<16xi32>
          %parallel_loop3A_169 = tpu.vector_load_idx %arg8[%parallel_loop3A_168] : memref<32768xf32, #tpu.memory_space<vmem>>[vector<16xi32>], vector<16xf32>,
          %parallel_loop3A_170 = arith.constant 0 : i32
          %parallel_loop3A_171 = arith.addi %parallel_loop3A_161, %parallel_loop3A_170 : i32
          %parallel_loop3A_172 = arith.index_cast %parallel_loop3A_171 : i32 to index
          %parallel_loop3A_173 = tpu.vector_load %arg9[%parallel_loop3A_172] {strides = array<i32>} : memref<32768xf32, #tpu.memory_space<vmem>>, vector<16xf32>,
          %parallel_loop3A_174 = arith.mulf %parallel_loop3A_173, %parallel_loop3A_169 : vector<16xf32>
          %parallel_loop3A_175 = arith.index_cast %parallel_loop3A_171 : i32 to index
          %parallel_loop3A_176 = tpu.vector_load %arg9[%parallel_loop3A_175] {strides = array<i32>} : memref<32768xf32, #tpu.memory_space<vmem>>, vector<16xf32>,
          tpu.vector_store %arg9[%parallel_loop3A_175], %parallel_loop3A_174 {strides = array<i32>} : memref<32768xf32, #tpu.memory_space<vmem>>, vector<16xf32>,
          %parallel_loop3A_177 = arith.constant 128 : i32
          %parallel_loop3A_178 = vector.broadcast %parallel_loop3A_177 : i32 to vector<16xi32>
          %parallel_loop3A_179 = arith.addi %parallel_loop3A_165, %parallel_loop3A_178 : vector<16xi32>
          %parallel_loop3A_180 = tpu.vector_load_idx %arg8[%parallel_loop3A_179] : memref<32768xf32, #tpu.memory_space<vmem>>[vector<16xi32>], vector<16xf32>,
          %parallel_loop3A_181 = arith.constant 128 : i32
          %parallel_loop3A_182 = arith.addi %parallel_loop3A_161, %parallel_loop3A_181 : i32
          %parallel_loop3A_183 = arith.index_cast %parallel_loop3A_182 : i32 to index
          %parallel_loop3A_184 = tpu.vector_load %arg9[%parallel_loop3A_183] {strides = array<i32>} : memref<32768xf32, #tpu.memory_space<vmem>>, vector<16xf32>,
          %parallel_loop3A_185 = arith.mulf %parallel_loop3A_184, %parallel_loop3A_180 : vector<16xf32>
          %parallel_loop3A_186 = arith.index_cast %parallel_loop3A_182 : i32 to index
          %parallel_loop3A_187 = tpu.vector_load %arg9[%parallel_loop3A_186] {strides = array<i32>} : memref<32768xf32, #tpu.memory_space<vmem>>, vector<16xf32>,
          tpu.vector_store %arg9[%parallel_loop3A_186], %parallel_loop3A_185 {strides = array<i32>} : memref<32768xf32, #tpu.memory_space<vmem>>, vector<16xf32>,
          %parallel_loop3A_188 = arith.constant 256 : i32
          %parallel_loop3A_189 = vector.broadcast %parallel_loop3A_188 : i32 to vector<16xi32>
          %parallel_loop3A_190 = arith.addi %parallel_loop3A_165, %parallel_loop3A_189 : vector<16xi32>
          %parallel_loop3A_191 = tpu.vector_load_idx %arg8[%parallel_loop3A_190] : memref<32768xf32, #tpu.memory_space<vmem>>[vector<16xi32>], vector<16xf32>,
          %parallel_loop3A_192 = arith.constant 256 : i32
          %parallel_loop3A_193 = arith.addi %parallel_loop3A_161, %parallel_loop3A_192 : i32
          %parallel_loop3A_194 = arith.index_cast %parallel_loop3A_193 : i32 to index
          %parallel_loop3A_195 = tpu.vector_load %arg9[%parallel_loop3A_194] {strides = array<i32>} : memref<32768xf32, #tpu.memory_space<vmem>>, vector<16xf32>,
          %parallel_loop3A_196 = arith.mulf %parallel_loop3A_195, %parallel_loop3A_191 : vector<16xf32>
          %parallel_loop3A_197 = arith.index_cast %parallel_loop3A_193 : i32 to index
          %parallel_loop3A_198 = tpu.vector_load %arg9[%parallel_loop3A_197] {strides = array<i32>} : memref<32768xf32, #tpu.memory_space<vmem>>, vector<16xf32>,
          tpu.vector_store %arg9[%parallel_loop3A_197], %parallel_loop3A_196 {strides = array<i32>} : memref<32768xf32, #tpu.memory_space<vmem>>, vector<16xf32>,
          %parallel_loop3A_199 = arith.constant 384 : i32
          %parallel_loop3A_200 = vector.broadcast %parallel_loop3A_199 : i32 to vector<16xi32>
          %parallel_loop3A_201 = arith.addi %parallel_loop3A_165, %parallel_loop3A_200 : vector<16xi32>
          %parallel_loop3A_202 = tpu.vector_load_idx %arg8[%parallel_loop3A_201] : memref<32768xf32, #tpu.memory_space<vmem>>[vector<16xi32>], vector<16xf32>,
          %parallel_loop3A_203 = arith.constant 384 : i32
          %parallel_loop3A_204 = arith.addi %parallel_loop3A_161, %parallel_loop3A_203 : i32
          %parallel_loop3A_205 = arith.index_cast %parallel_loop3A_204 : i32 to index
          %parallel_loop3A_206 = tpu.vector_load %arg9[%parallel_loop3A_205] {strides = array<i32>} : memref<32768xf32, #tpu.memory_space<vmem>>, vector<16xf32>,
          %parallel_loop3A_207 = arith.mulf %parallel_loop3A_206, %parallel_loop3A_202 : vector<16xf32>
          %parallel_loop3A_208 = arith.index_cast %parallel_loop3A_204 : i32 to index
          %parallel_loop3A_209 = tpu.vector_load %arg9[%parallel_loop3A_208] {strides = array<i32>} : memref<32768xf32, #tpu.memory_space<vmem>>, vector<16xf32>,
          tpu.vector_store %arg9[%parallel_loop3A_208], %parallel_loop3A_207 {strides = array<i32>} : memref<32768xf32, #tpu.memory_space<vmem>>, vector<16xf32>,
          %parallel_loop3A_210 = arith.constant 512 : i32
          %parallel_loop3A_211 = vector.broadcast %parallel_loop3A_210 : i32 to vector<16xi32>
          %parallel_loop3A_212 = arith.addi %parallel_loop3A_165, %parallel_loop3A_211 : vector<16xi32>
          %parallel_loop3A_213 = tpu.vector_load_idx %arg8[%parallel_loop3A_212] : memref<32768xf32, #tpu.memory_space<vmem>>[vector<16xi32>], vector<16xf32>,
          %parallel_loop3A_214 = arith.constant 512 : i32
          %parallel_loop3A_215 = arith.addi %parallel_loop3A_161, %parallel_loop3A_214 : i32
          %parallel_loop3A_216 = arith.index_cast %parallel_loop3A_215 : i32 to index
          %parallel_loop3A_217 = tpu.vector_load %arg9[%parallel_loop3A_216] {strides = array<i32>} : memref<32768xf32, #tpu.memory_space<vmem>>, vector<16xf32>,
          %parallel_loop3A_218 = arith.mulf %parallel_loop3A_217, %parallel_loop3A_213 : vector<16xf32>
          %parallel_loop3A_219 = arith.index_cast %parallel_loop3A_215 : i32 to index
          %parallel_loop3A_220 = tpu.vector_load %arg9[%parallel_loop3A_219] {strides = array<i32>} : memref<32768xf32, #tpu.memory_space<vmem>>, vector<16xf32>,
          tpu.vector_store %arg9[%parallel_loop3A_219], %parallel_loop3A_218 {strides = array<i32>} : memref<32768xf32, #tpu.memory_space<vmem>>, vector<16xf32>,
          %parallel_loop3A_221 = arith.constant 640 : i32
          %parallel_loop3A_222 = vector.broadcast %parallel_loop3A_221 : i32 to vector<16xi32>
          %parallel_loop3A_223 = arith.addi %parallel_loop3A_165, %parallel_loop3A_222 : vector<16xi32>
          %parallel_loop3A_224 = tpu.vector_load_idx %arg8[%parallel_loop3A_223] : memref<32768xf32, #tpu.memory_space<vmem>>[vector<16xi32>], vector<16xf32>,
          %parallel_loop3A_225 = arith.constant 640 : i32
          %parallel_loop3A_226 = arith.addi %parallel_loop3A_161, %parallel_loop3A_225 : i32
          %parallel_loop3A_227 = arith.index_cast %parallel_loop3A_226 : i32 to index
          %parallel_loop3A_228 = tpu.vector_load %arg9[%parallel_loop3A_227] {strides = array<i32>} : memref<32768xf32, #tpu.memory_space<vmem>>, vector<16xf32>,
          %parallel_loop3A_229 = arith.mulf %parallel_loop3A_228, %parallel_loop3A_224 : vector<16xf32>
          %parallel_loop3A_230 = arith.index_cast %parallel_loop3A_226 : i32 to index
          %parallel_loop3A_231 = tpu.vector_load %arg9[%parallel_loop3A_230] {strides = array<i32>} : memref<32768xf32, #tpu.memory_space<vmem>>, vector<16xf32>,
          tpu.vector_store %arg9[%parallel_loop3A_230], %parallel_loop3A_229 {strides = array<i32>} : memref<32768xf32, #tpu.memory_space<vmem>>, vector<16xf32>,
          %parallel_loop3A_232 = arith.constant 768 : i32
          %parallel_loop3A_233 = vector.broadcast %parallel_loop3A_232 : i32 to vector<16xi32>
          %parallel_loop3A_234 = arith.addi %parallel_loop3A_165, %parallel_loop3A_233 : vector<16xi32>
          %parallel_loop3A_235 = tpu.vector_load_idx %arg8[%parallel_loop3A_234] : memref<32768xf32, #tpu.memory_space<vmem>>[vector<16xi32>], vector<16xf32>,
          %parallel_loop3A_236 = arith.constant 768 : i32
          %parallel_loop3A_237 = arith.addi %parallel_loop3A_161, %parallel_loop3A_236 : i32
          %parallel_loop3A_238 = arith.index_cast %parallel_loop3A_237 : i32 to index
          %parallel_loop3A_239 = tpu.vector_load %arg9[%parallel_loop3A_238] {strides = array<i32>} : memref<32768xf32, #tpu.memory_space<vmem>>, vector<16xf32>,
          %parallel_loop3A_240 = arith.mulf %parallel_loop3A_239, %parallel_loop3A_235 : vector<16xf32>
          %parallel_loop3A_241 = arith.index_cast %parallel_loop3A_237 : i32 to index
          %parallel_loop3A_242 = tpu.vector_load %arg9[%parallel_loop3A_241] {strides = array<i32>} : memref<32768xf32, #tpu.memory_space<vmem>>, vector<16xf32>,
          tpu.vector_store %arg9[%parallel_loop3A_241], %parallel_loop3A_240 {strides = array<i32>} : memref<32768xf32, #tpu.memory_space<vmem>>, vector<16xf32>,
          %parallel_loop3A_243 = arith.constant 896 : i32
          %parallel_loop3A_244 = vector.broadcast %parallel_loop3A_243 : i32 to vector<16xi32>
          %parallel_loop3A_245 = arith.addi %parallel_loop3A_165, %parallel_loop3A_244 : vector<16xi32>
          %parallel_loop3A_246 = tpu.vector_load_idx %arg8[%parallel_loop3A_245] : memref<32768xf32, #tpu.memory_space<vmem>>[vector<16xi32>], vector<16xf32>,
          %parallel_loop3A_247 = arith.constant 896 : i32
          %parallel_loop3A_248 = arith.addi %parallel_loop3A_161, %parallel_loop3A_247 : i32
          %parallel_loop3A_249 = arith.index_cast %parallel_loop3A_248 : i32 to index
          %parallel_loop3A_250 = tpu.vector_load %arg9[%parallel_loop3A_249] {strides = array<i32>} : memref<32768xf32, #tpu.memory_space<vmem>>, vector<16xf32>,
          %parallel_loop3A_251 = arith.mulf %parallel_loop3A_250, %parallel_loop3A_246 : vector<16xf32>
          %parallel_loop3A_252 = arith.index_cast %parallel_loop3A_248 : i32 to index
          %parallel_loop3A_253 = tpu.vector_load %arg9[%parallel_loop3A_252] {strides = array<i32>} : memref<32768xf32, #tpu.memory_space<vmem>>, vector<16xf32>,
          tpu.vector_store %arg9[%parallel_loop3A_252], %parallel_loop3A_251 {strides = array<i32>} : memref<32768xf32, #tpu.memory_space<vmem>>, vector<16xf32>,
        } {sc.loop_unroll_factor = 8 : i64, sc.parallel_access}
        %add3A_139 = arith.constant 32 : i32
        %add3A_140 = arith.addi %add3A_98, %add3A_139 : i32
        %lt3A_141 = arith.constant 650 : i32
        %lt3A_142 = arith.cmpi slt, %add3A_140, %lt3A_141 : i32
        %convert_element_type3A_143 = arith.extui %lt3A_142 : i1 to i32
        %cond3A_144 = arith.constant 0 : i32
        %cond3A_145 = arith.cmpi ne, %convert_element_type3A_143, %cond3A_144 : i32
        scf.if %cond3A_145 {
          %add3A_152 = arith.constant 32 : i32
          %add3A_153 = arith.addi %add3A_98, %add3A_152 : i32
          %rem3A_154 = arith.constant 2 : i32
          %rem3A_155 = arith.remsi %add3A_153, %rem3A_154 : i32
          %div3A_156 = arith.constant 2 : i32
          %div3A_157 = arith.divsi %add3A_153, %div3A_156 : i32
          %scan3A_158 = arith.constant 0 : i32
          %scan3A_159 = arith.constant 0 : i32
          %scan3A_160 = arith.constant 0 : i32
          %scan3A_161 = arith.constant 25 : i32
          %scan3A_162 = arith.addi %scan3A_160, %scan3A_161 : i32
          %scan3A_163 = arith.constant 1 : i32
          %scan3A_164:2 = scf.for %scan3A_196 = %scan3A_160 to %scan3A_162 step %scan3A_163 iter_args(%scan3A_197 = %scan3A_158, %scan3A_198 = %scan3A_159) -> (i32, i32)  : i32 {
            %sub3A_199 = arith.constant 25 : i32
            %sub3A_200 = arith.subi %sub3A_199, %scan3A_197 : i32
            %add3A_201 = arith.addi %scan3A_198, %sub3A_200 : i32
            %le3A = arith.cmpi sle, %add3A_201, %div3A_157 : i32
            %add3A_202 = arith.constant 1 : i32
            %add3A_203 = arith.addi %scan3A_197, %add3A_202 : i32
            %select_n3A = arith.select %le3A, %add3A_203, %scan3A_197 : i32
            %select_n3A_204 = arith.select %le3A, %add3A_201, %scan3A_198 : i32
            scf.yield %select_n3A, %select_n3A_204 : i32, i32
          }
          %scan3A_165 = arith.constant 25 : i32
          %add3A_166 = arith.constant 1 : i32
          %add3A_167 = arith.addi %scan3A_164#0, %add3A_166 : i32
          %sub3A_168 = arith.subi %div3A_157, %scan3A_164#1 : i32
          %add3A_169 = arith.addi %add3A_167, %sub3A_168 : i32
          %mul3A_170 = arith.constant 2 : i32
          %mul3A_171 = arith.muli %add3A_169, %mul3A_170 : i32
          %add3A_172 = arith.addi %mul3A_171, %rem3A_155 : i32
          %mul3A_173 = arith.constant 832 : i32
          %mul3A_174 = arith.muli %add3A_172, %mul3A_173 : i32
          %mul3A_175 = arith.constant 32 : i32
          %mul3A_176 = arith.muli %scan3A_164#0, %mul3A_175 : i32
          %add3A_177 = arith.addi %mul3A_174, %mul3A_176 : i32
          %mul3A_178 = arith.constant 2 : i32
          %mul3A_179 = arith.muli %scan3A_164#0, %mul3A_178 : i32
          %add3A_180 = arith.addi %mul3A_179, %rem3A_155 : i32
          %mul3A_181 = arith.constant 832 : i32
          %mul3A_182 = arith.muli %add3A_180, %mul3A_181 : i32
          %mul3A_183 = arith.constant 32 : i32
          %mul3A_184 = arith.muli %add3A_169, %mul3A_183 : i32
          %add3A_185 = arith.addi %mul3A_182, %mul3A_184 : i32
          %mul3A_186 = arith.constant 1024 : i32
          %mul3A_187 = arith.muli %add3A_185, %mul3A_186 : i32
          %dma_start3A_188 = tpu.memref_slice %arg2[%mul3A_187] : memref<44302336xf32, #tpu.memory_space<hbm>> -> memref<32768xf32, #tpu.memory_space<hbm>>
          %dma_start3A_189 = tpu.memref_slice %arg2[%mul3A_187] : memref<44302336xf32, #tpu.memory_space<hbm>> -> memref<32768xf32, #tpu.memory_space<hbm>>
          tpu.enqueue_dma source(%dma_start3A_189 : memref<32768xf32, #tpu.memory_space<hbm>>) target(%arg8 : memref<32768xf32, #tpu.memory_space<vmem>>) target_semaphore(%arg11 : memref<!tpu.dma_semaphore, #tpu.memory_space<semaphore_mem>>)
          %dma_start3A_190 = arith.constant 0 : i32
          %dma_start3A_191 = tpu.memref_slice %arg3[%add3A_169, %dma_start3A_190] : memref<26x4096xi32, #tpu.memory_space<hbm>> -> memref<1x4096xi32, #tpu.memory_space<hbm>>
          %dma_start3A_192 = tpu.memref_squeeze %dma_start3A_191 : memref<1x4096xi32, #tpu.memory_space<hbm>> -> memref<4096xi32, #tpu.memory_space<hbm>>
          %dma_start3A_193 = arith.constant 0 : i32
          %dma_start3A_194 = tpu.memref_slice %arg3[%add3A_169, %dma_start3A_193] : memref<26x4096xi32, #tpu.memory_space<hbm>> -> memref<1x4096xi32, #tpu.memory_space<hbm>>
          %dma_start3A_195 = tpu.memref_squeeze %dma_start3A_194 : memref<1x4096xi32, #tpu.memory_space<hbm>> -> memref<4096xi32, #tpu.memory_space<hbm>>
          tpu.enqueue_dma source(%dma_start3A_195 : memref<4096xi32, #tpu.memory_space<hbm>>) target(%arg6 : memref<4096xi32, #tpu.memory_space<vmem>>) target_semaphore(%arg11 : memref<!tpu.dma_semaphore, #tpu.memory_space<semaphore_mem>>)
        } else {
        }
        %dma_start3A_146 = arith.constant 0 : i32
        %dma_start3A_147 = tpu.memref_slice %arg4[%add3A_98, %dma_start3A_146] : memref<650x32768xf32, #tpu.memory_space<hbm>> -> memref<1x32768xf32, #tpu.memory_space<hbm>>
        %dma_start3A_148 = tpu.memref_squeeze %dma_start3A_147 : memref<1x32768xf32, #tpu.memory_space<hbm>> -> memref<32768xf32, #tpu.memory_space<hbm>>
        %dma_start3A_149 = arith.constant 0 : i32
        %dma_start3A_150 = tpu.memref_slice %arg4[%add3A_98, %dma_start3A_149] : memref<650x32768xf32, #tpu.memory_space<hbm>> -> memref<1x32768xf32, #tpu.memory_space<hbm>>
        %dma_start3A_151 = tpu.memref_squeeze %dma_start3A_150 : memref<1x32768xf32, #tpu.memory_space<hbm>> -> memref<32768xf32, #tpu.memory_space<hbm>>
        tpu.enqueue_dma source(%arg9 : memref<32768xf32, #tpu.memory_space<vmem>>) target(%dma_start3A_151 : memref<32768xf32, #tpu.memory_space<hbm>>) target_semaphore(%arg12 : memref<!tpu.dma_semaphore, #tpu.memory_space<semaphore_mem>>)
      } else {
      }
    }
    %scan3A_84 = arith.constant 21 : i32
    %dma_wait3A = arith.constant 0 : i32
    %dma_wait3A_85 = arith.constant 0 : i32
    %dma_wait3A_86 = tpu.memref_slice %arg4[%dma_wait3A, %dma_wait3A_85] : memref<650x32768xf32, #tpu.memory_space<hbm>> -> memref<1x32768xf32, #tpu.memory_space<hbm>>
    %dma_wait3A_87 = tpu.memref_squeeze %dma_wait3A_86 : memref<1x32768xf32, #tpu.memory_space<hbm>> -> memref<32768xf32, #tpu.memory_space<hbm>>
    %dma_wait3A_88 = arith.constant 0 : i32
    %dma_wait3A_89 = tpu.memref_slice %arg4[%dma_wait3A, %dma_wait3A_88] : memref<650x32768xf32, #tpu.memory_space<hbm>> -> memref<1x32768xf32, #tpu.memory_space<hbm>>
    %dma_wait3A_90 = tpu.memref_squeeze %dma_wait3A_89 : memref<1x32768xf32, #tpu.memory_space<hbm>> -> memref<32768xf32, #tpu.memory_space<hbm>>
    tpu.wait_dma2 semaphore(%arg12 : memref<!tpu.dma_semaphore, #tpu.memory_space<semaphore_mem>>) src(%arg9 : memref<32768xf32, #tpu.memory_space<vmem>>) dst(%dma_wait3A_90 : memref<32768xf32, #tpu.memory_space<hbm>>)
    return
  }
}

</mosaic_0001>

<sc_bundles>
// kernel: kernel.3.cloned.1.call-start
scs
__scs_entry_jumppad:
0x0: {  	(pc) =	sbr.rel $0x88, $3  }
0x1: {  	(tag) =	ssettag $0x0;
	lr =	simm.s32 $0x1  }
0x2: {  	[smem:$0x3F9F] =	sst lr;
	_ =	strace $0xD0000000  }
0x3: {  	_ = 	snop  }
0x4: {  	_ = 	snop  }
0x5: {  	_ = 	snop  }
0x6: {  	_ = 	snop  }
0x7: {  	_ = 	snop  }
__scs_overlays_trampoline_lowered:
0x8: {  	[smem:$0x3FAE] =	sst s0  }
0x9: {  	[smem:$0x3FAF] =	sst s1  }
0xa: {  	[smem:$0x3FB0] =	sst s2  }
0xb: {  	[smem:$0x3FB1] =	sst s3  }
0xc: {  	[smem:$0x3FB2] =	sst s4  }
0xd: {  	[smem:$0x3FB3] =	sst s5  }
0xe: {  	[smem:$0x3FB4] =	sst s6  }
0xf: {  	[smem:$0x3FB5] =	sst s7  }
0x10: {  	[smem:$0x3FB6] =	sst s8  }
0x11: {  	[smem:$0x3FB7] =	sst s9;
	s0 =	simm.s32 @!p0 $0x0  }
0x12: {  	s1 =	sld [smem:$0x3F9D];
	s0 =	simm.s32 @p0 $0x1  }
0x13: {  	[smem:$0x3FB8] =	sst s0;
	s0 =	simm.s32 @!p1 $0x0  }
0x14: {  	s2 =	sld [smem:$0x3F9C];
	s0 =	simm.s32 @p1 $0x1  }
0x15: {  	[smem:$0x3FB9] =	sst s0;
	s0 =	simm.s32 @!p2 $0x0  }
0x16: {  	s3 =	sld [smem:$0x3FDB];
	s0 =	simm.s32 @p2 $0x1  }
0x17: {  	s4 =	simm.s32 $0x1BF5;
	[smem:$0x3FBB] =	sst s0  }
0x18: {  	s0 =	sld [smem:$0x3F9E];
	_ =	swait.ge [sflag:s4], $0x0  }
0x19: {  	s7 =	sld [smem:$0x3F9F]  }
0x1a: {  	s8 =	sadd.s32 $0xFFFFE003, lr  }
0x1b: {  	s9 =	sadd.s32 $0xFFFFFEF7, lr;
	s5 =	simm.s32 $0xFFFFFFFF;
	p2 =	slt.u32 s8, $0xFFFFF086  }
0x1c: {  	p1 =	slt.u32 s9, $0xF7A;
	s5 =	simm.s32 @!p2 $0x0  }
0x1d: {  	s5 =	simm.s32 @p1 $0x1;
	p0 =	seq.s32 s7, s2  }
0x1e: {  	s7 =	smul.u32 @!p0 $0xF7A, s2;
	p2 =	seq.s32 @!p0 s5, $0x0  }
0x1f: {  	s9 =	smul.u32 $0xF7A, s1;
	s8 =	simm.s32 @!p0 $0x1BF5;
	p2 =	por !p2, p0  }
0x20: {  	[sflag:s8] =	ssyncset.s32 @!p0 $0xFFFFF086;
	s6 =	sadd.s32 @!p0 s3, s7;
	s7 =	simm.s32 @!p0 $0x108  }
0x21: {  	s3 =	sadd.s32 s3, s9;
	s6 =	sadd.s32 @!p0 $0x88, s6;
	s7 =	simm.s32 @p2 $0x1082  }
0x22: {  	[simem:s7], [sflag:s8] =	dma.local @!p0 [hbm:s6], $0xF7A  }
0x23: {  	s9 =	sor.u32 $0xD0000000, s2;
	s6 =	simm.s32 $0x108;
	_ =	swait.ge @!p0 [sflag:s8], $0x0  }
0x24: {  	s3 =	sadd.s32 $0x88, s3;
	s6 =	simm.s32 @!p1 $0x1082;
	[sflag:s4] =	ssyncset.s32 $0xFFFFF086  }
0x25: {  	[simem:s6], [sflag:s4] =	dma.local [hbm:s3], $0xF7A  }
0x26: {  	[smem:$0x3F9F] =	sst s1;
	(tag) =	ssettag s2;
	_ =	strace s9  }
0x27: {  	s1 =	sld [smem:$0x3FAF]  }
0x28: {  	s2 =	sld [smem:$0x3FB0]  }
0x29: {  	s4 =	sld [smem:$0x3FB2]  }
0x2a: {  	p0 =	seq.s32 s5, $0x0;
	s5 =	sld [smem:$0x3FB3]  }
0x2b: {  	s6 =	sld [smem:$0x3FB4]  }
0x2c: {  	s7 =	sld [smem:$0x3FB5]  }
0x2d: {  	s3 =	simm.s32 $0x108;
	s8 =	sld [smem:$0x3FB6]  }
0x2e: {  	s3 =	simm.s32 @!p0 $0x1082;
	s9 =	sld [smem:$0x3FB7]  }
0x2f: {  	lr =	sadd.s32 s0, s3;
	s0 =	sld [smem:$0x3FAE]  }
0x30: {  	s3 =	sld [smem:$0x3FB1]  }
0x31: {  	[smem:$0x3FBA] =	sst s10  }
0x32: {  	s10 =	sld [smem:$0x3FB8];
	_ =	sdelay $0x3  }
0x33: {  	p0 =	seq.s32 s10, $0x1;
	s10 =	sld [smem:$0x3FBA];
	_ =	sdelay $0x3  }
0x34: {  	[smem:$0x3FBA] =	sst s10  }
0x35: {  	s10 =	sld [smem:$0x3FB9];
	_ =	sdelay $0x3  }
0x36: {  	p1 =	seq.s32 s10, $0x1;
	s10 =	sld [smem:$0x3FBA];
	_ =	sdelay $0x3  }
0x37: {  	[smem:$0x3FBA] =	sst s10  }
0x38: {  	s10 =	sld [smem:$0x3FBB]  }
0x39: {  	_ = 	snop;
	(pc) =	sbr.ind lr, $3  }
0x3a: {  	_ = 	snop  }
0x3b: {  	_ = 	snop  }
0x3c: {  	p2 =	seq.s32 s10, $0x1;
	s10 =	sld [smem:$0x3FBA]  }
0x3d: {  	_ =	shalt  }
0x3e: {  	_ =	shalt  }
0x3f: {  	_ =	shalt  }
0x40: {  	_ =	shalt  }
0x41: {  	_ =	shalt  }
0x42: {  	_ =	shalt  }
0x43: {  	_ =	shalt  }
0x44: {  	_ =	shalt  }
0x45: {  	_ =	shalt  }
0x46: {  	_ =	shalt  }
0x47: {  	_ =	shalt  }
0x48: {  	_ =	shalt  }
0x49: {  	_ =	shalt  }
0x4a: {  	_ =	shalt  }
0x4b: {  	_ =	shalt  }
0x4c: {  	_ =	shalt  }
0x4d: {  	_ =	shalt  }
0x4e: {  	_ =	shalt  }
0x4f: {  	_ =	shalt  }
0x50: {  	_ =	shalt  }
0x51: {  	_ =	shalt  }
0x52: {  	_ =	shalt  }
0x53: {  	_ =	shalt  }
0x54: {  	_ =	shalt  }
0x55: {  	_ =	shalt  }
0x56: {  	_ =	shalt  }
0x57: {  	_ =	shalt  }
0x58: {  	_ =	shalt  }
0x59: {  	_ =	shalt  }
0x5a: {  	_ =	shalt  }
0x5b: {  	_ =	shalt  }
0x5c: {  	_ =	shalt  }
0x5d: {  	_ =	shalt  }
0x5e: {  	_ =	shalt  }
0x5f: {  	_ =	shalt  }
0x60: {  	_ =	shalt  }
0x61: {  	_ =	shalt  }
0x62: {  	_ =	shalt  }
0x63: {  	_ =	shalt  }
0x64: {  	_ =	shalt  }
0x65: {  	_ =	shalt  }
0x66: {  	_ =	shalt  }
0x67: {  	_ =	shalt  }
0x68: {  	_ =	shalt  }
0x69: {  	_ =	shalt  }
0x6a: {  	_ =	shalt  }
0x6b: {  	_ =	shalt  }
0x6c: {  	_ =	shalt  }
0x6d: {  	_ =	shalt  }
0x6e: {  	_ =	shalt  }
0x6f: {  	_ =	shalt  }
0x70: {  	_ =	shalt  }
0x71: {  	_ =	shalt  }
0x72: {  	_ =	shalt  }
0x73: {  	_ =	shalt  }
0x74: {  	_ =	shalt  }
0x75: {  	_ =	shalt  }
0x76: {  	_ =	shalt  }
0x77: {  	_ =	shalt  }
0x78: {  	_ =	shalt  }
0x79: {  	_ =	shalt  }
0x7a: {  	_ =	shalt  }
0x7b: {  	_ =	shalt  }
0x7c: {  	_ =	shalt  }
0x7d: {  	_ =	shalt  }
0x7e: {  	_ =	shalt  }
0x7f: {  	_ =	shalt  }
0x80: {  	_ =	shalt  }
0x81: {  	_ =	shalt  }
0x82: {  	_ =	shalt  }
0x83: {  	_ =	shalt  }
0x84: {  	_ =	shalt  }
0x85: {  	_ =	shalt  }
0x86: {  	_ =	shalt  }
0x87: {  	_ =	shalt  }
.Lfunc_end0:
.L_simem_size_0:
called_computation_lowered:
.L_overlay_start_0:
0x88: {  	s2 =	sld [smem:$0x3FD9]  }
0x89: {  	s3 =	sld [smem:$0x3FFE];
	_ =	sdelay $0x1  }
0x8a: {  	s1 =	srdreg.scid  }
0x8b: {  	s0 =	sand.u32 $0x1, s1  }
0x8c: {  	s17 =	sshll.u32 s0, $0xA;
	s2 =	sadd.s32 s3, s2  }
0x8d: {  	s2 =	sadd.s32 s2, s17  }
0x8e: {  	[smem:$0x3FC6] =	sst s2  }
0x8f: {  	_ = 	snop  }
0x90: {  	s2 =	sld [smem:$0x3FC8]  }
0x91: {  	s18 =	sld [smem:$0x3FD0];
	(tm) =	ssettm $0x1  }
0x92: {  	s4 =	sld [smem:$0x3FFB];
	_ =	sdelay $0x3  }
0x93: {  	_ =	strace s4  }
0x94: {  	s4 =	sld [smem:$0x3FFC];
	_ =	sdelay $0x3  }
0x95: {  	_ =	strace s4  }
0x96: {  	s4 =	sld [smem:$0x3FFD];
	_ =	sdelay $0x3  }
0x97: {  	_ =	strace s4  }
0x98: {  	_ =	strace $0x8FFFFFFF  }
0x99: {  	s19 =	sld [smem:$0x3FDB];
	_ =	sdelay $0x1  }
0x9a: {  	s5 =	simm.s32 $_scs_section_size  }
0x9b: {  	s6 =	simm.s32 $_size__tile_overlayer_lowered;
	s7 =	simm.s32 $_tile_overlayer_lowered  }
0x9c: {  	s22 =	simm.s32 $0x1BFF;
	s21 =	sshll.u32 s7, $0x1;
	s4 =	sadd.s32 s5, s19  }
0x9d: {  	s8 =	simm.s32 $0x0;
	s20 =	sshll.u32 s6, $0x1;
	s6 =	sadd.s32 s21, s4  }
0x9e: {  	[timem:s8], [sflag:s22] =	dma.local [hbm:s6], s20  }
0x9f: {  	_ =	swait.ge [sflag:s22], s20  }
0xa0: {  	s5 =	ssub.s32 $0x0, s20;
	[sflag:s22] =	ssyncset.done $0x0  }
0xa1: {  	[sflag:s22] =	ssyncadd.s32 s5;
	_ =	sdelay $0x1  }
0xa2: {  	s23 =	simm.s32 $0x1B8B  }
0xa3: {  	_ =	swait.ge [sflag:s23], $0x1  }
0xa4: {  	[sflag:s23] =	ssyncset.done $0x0  }
0xa5: {  	s25 =	simm.s32 $0x1B8E;
	s24 =	sld [smem:$0x3FFE];
	[sflag:s23] =	ssyncadd.s32 $0xFFFFFFFF  }
0xa6: {  	s26 =	simm.s32 $execute0_lowered;
	[smem:$0x3FD2] =	sst s25  }
0xa7: {  	s6 =	sshll.u32 s26, $0x1;
	_ =	strace $0x80000046;
	[dreg:$0x1] =	wrdreg $0xFFFFFFFF  }
0xa8: {  	s28 =	simm.s32 $_size_execute0_lowered;
	s4 =	sadd.s32 s4, s6;
	[dreg:$0x0] =	wrdreg $0x0  }
0xa9: {  	s6 =	sshll.u32 s28, $0x1;
	[dreg:$0x2] =	wrdreg s4  }
0xaa: {  	[dreg:$0x3] =	wrdreg s6  }
0xab: {  	[dreg:$0x4] =	wrdreg $0xC0  }
0xac: {  	_ =	task [dreg:s8], $0x5FFFF  }
0xad: {  	[dreg:$0x1] =	wrdreg $0xFFFFFFFF  }
0xae: {  	[dreg:$0x0] =	wrdreg $0x60  }
0xaf: {  	[dreg:$0x2] =	wrdreg s2  }
0xb0: {  	[dreg:$0x3] =	wrdreg s24  }
0xb1: {  	[dreg:$0x4] =	wrdreg s18  }
0xb2: {  	[dreg:$0x5] =	wrdreg $0x9  }
0xb3: {  	_ =	task.clear_ibuf [dreg:s8], $0x6FFFF;
	_ =	strace $0x90000046  }
0xb4: {  	s29 =	simm.s32 $0x9;
	_ =	strace $0x80000048  }
0xb5: {  	_ =	swait.ge [sflag:s29], $0x1  }
0xb6: {  	[sflag:s29] =	ssyncadd.s32 $0xFFFFFFFF  }
0xb7: {  	_ =	strace $0x90000048  }
0xb8: {  	_ =	sfence  }
0xb9: {  	s30 =	sld [smem:$0x0];
	_ =	sdelay $0x2  }
0xba: {  	s31 =	sshll.u32 s1, $0xD;
	s1 =	sshrl.u32 s1, $0x2  }
0xbb: {  	s3 =	sand.u32 $0x4000, s31;
	s1 =	sadd.s32 s1, s30  }
0xbc: {  	s0 =	sor.u32 s3, s0;
	s1 =	sshll.u32 s1, $0x11  }
0xbd: {  	s0 =	sor.u32 s1, s0  }
0xbe: {  	s0 =	sadd.s32 $0x8F2B, s0  }
0xbf: {  	[sflag:s0] =	ssyncadd.remote.s32 $0x1  }
0xc0: {  	_ =	sfence.sel $0xFFFF  }
0xc1: {  	[dreg:$0x0] =	wrdreg $0xFFFFFFFF;
	(pc) =	sbr.abs _section_cstart, $3  }
0xc2: {  	[dreg:$0x1] =	wrdreg $0xFFFFFFFF  }
0xc3: {  	_ =	task.clear_ibuf [dreg:s8], $0x2FFFF;
	_ =	strace $0x9FFFFFFF  }
0xc4: {  	(tm) =	ssettm $0x7FFFFFFF  }
0xc5: {  	_ =	shalt  }
tec
execute0_lowered:
.L_overlay_start_1:
0x0: {  	(tag) =	ssettag $0x1  }
0x1: {  	s1 =	rddreg [dreg:$0x0]  }
0x2: {  	s5 =	rddreg [dreg:$0x1]  }
0x3: {  	s2 =	rddreg [dreg:$0x2]  }
0x4: {  	s0 =	rddreg [dreg:$0x3]  }
0x5: {  	s4 =	simm.s32 $0x0;
	s6 =	srdreg.scid;
	s3 =	stileid.u32  }
0x6: {  	s13 =	simm.s32 $0xA000;
	s14 =	simm.s32 $0x1000;
	s15 =	simm.s32 $0x1  }
0x7: {  	s16 =	simm.s32 $0x2;
	s17 =	simm.s32 $0x12000;
	s18 =	simm.s32 $0x3  }
0x8: {  	s19 =	simm.s32 $0x0;
	[smem:$0x7FF] =	sst s4;
	s5 =	sadd.s32 $0x400, s5  }
0x9: {  	s6 =	sand.u32 $0x1, s6;
	s8 =	sadd.s32 $0x1, s3;
	_ =	strace $0x80000047  }
0xa: {  	s7 =	ssub.s32 $0x2, s6;
	s9 =	sshll.u32 s8, $0x1;
	s10 =	smul.u32 $0xD0000, s6  }
.Ltmp0:
0xb: {  	s12 =	sshll.u32 s8, $0xF;
	s11 =	sshrl.u32 s7, $0x1;
	(pc) =	sbr.rel .LBB2_1-.Ltmp0, $4  }
0xc: {  	s31 =	sshll.u32 s8, $0x9;
	s9 =	sor.u32 s6, s9;
	s11 =	ssub.s32 s7, s11  }
0xd: {  	s9 =	smul.u32 $0x1A000, s9;
	s10 =	sadd.s32 s10, s12;
	s7 =	sshll.u32 s3, $0x1  }
0xe: {  	s12 =	simm.s32 $0x2000;
	s10 =	sshrl.u32 s10, $0x3;
	s11 =	smax.u32 s11, $0x1  }
0xf: {  	s8 =	sadd.s32 s1, s9;
	s9 =	sadd.s32 s1, s10;
	s10 =	sadd.s32 s5, s31  }
.LBB2_17:
0x10: {  	s19 =	sadd.s32 $0x1, s19  }
0x11: {  	p0 =	sne.s32 s19, s11  }
.Ltmp1:
0x12: {  	_ = 	snop;
	(pc) =	sbr.rel @!p0 .LBB2_18-.Ltmp1, $4  }
0x13: {  	_ = 	snop  }
0x14: {  	_ =	swait.ge [sflag:s18], $0x8000  }
0x15: {  	[sflag:s18] =	ssyncset.done $0x0  }
0x16: {  	[sflag:s18] =	ssyncadd.s32 $0xFFFF8000  }
.LBB2_1:
0x17: {  	[tilespmem:s12], [sflag:$0x1] =	stream.linear.gather [hbm4b:s8+s4], $0x8000, $0x38;
	[tilespmem:$0x1A000] =	vst v63  }
0x18: {  	_ = 	snop  }
0x19: {  	[tilespmem:s4], [sflag:$0x1] =	stream.linear.gather [hbm4b:s5+s4], $0x1000, $0x38;
	[tilespmem:$0x1A000] =	vst v63  }
.Ltmp2:
0x1a: {  	_ = 	snop;
	(pc) =	sbr.rel .LBB2_2-.Ltmp2, $4  }
0x1b: {  	_ = 	snop  }
0x1c: {  	[tilespmem:s13], [sflag:$0x2] =	stream.linear.gather [hbm4b:s9+s4], $0x8000, $0x38;
	[tilespmem:$0x1A000] =	vst v63  }
0x1d: {  	s20 =	simm.s32 $0x0  }
0x1e: {  	[tilespmem:s14], [sflag:$0x2] =	stream.linear.gather [hbm4b:s10+s4], $0x1000, $0x38;
	[tilespmem:$0x1A000] =	vst v63  }
.LBB2_15:
0x1f: {  	s21 =	sshll.u32 s21, $0xC  }
0x20: {  	s21 =	sadd.s32 s2, s21  }
0x21: {  	[hbm4b:s21+s4] =	stream.linear.scatter [tilespmem:s17], [sflag:$0x3], $0x8000, $0x38;
	[tilespmem:$0x1A000] =	vst v63  }
.LBB2_16:
0x22: {  	s20 =	sadd.s32 $0x1, s20  }
0x23: {  	p0 =	sne.s32 s20, $0x15  }
.Ltmp3:
0x24: {  	_ = 	snop;
	(pc) =	sbr.rel @!p0 .LBB2_17-.Ltmp3, $1  }
0x25: {  	_ =	sdelay $0x3  }
.LBB2_2:
0x26: {  	s21 =	sshll.u32 s20, $0x5  }
0x27: {  	s22 =	sor.u32 s7, s21  }
0x28: {  	p0 =	sgt.u32 s22, $0x289  }
.Ltmp4:
0x29: {  	_ = 	snop;
	(pc) =	sbr.rel @p0 .LBB2_16-.Ltmp4, $1  }
0x2a: {  	_ =	sdelay $0x3  }
0x2b: {  	_ =	swait.ge [sflag:s15], $0x8000  }
0x2c: {  	[sflag:s15] =	ssyncset.done $0x0  }
0x2d: {  	[sflag:s15] =	ssyncadd.s32 $0xFFFF8000  }
0x2e: {  	_ =	swait.ge [sflag:s15], $0x1000  }
0x2f: {  	p0 =	seq.s32 s20, $0x0;
	[sflag:s15] =	ssyncset.done $0x0  }
0x30: {  	s21 =	simm.s32 @!p0 $0x3;
	[sflag:s15] =	ssyncadd.s32 $0xFFFFF000  }
0x31: {  	_ =	swait.ge @!p0 [sflag:s21], $0x8000  }
0x32: {  	[sflag:s21] =	ssyncset.done @!p0 $0x0  }
0x33: {  	s31 =	simm.s32 $0x40;
	[sflag:s21] =	ssyncadd.s32 @!p0 $0xFFFF8000  }
0x34: {  	v7 =	vld [tilespmem:s31+$0x30]  }
0x35: {  	v5 =	vld [tilespmem:s31+$0xFFFFFFD0]  }
0x36: {  	v4 =	vld [tilespmem:s31+$0xFFFFFFE0]  }
0x37: {  	v3 =	vld [tilespmem:s31+$0xFFFFFFF0]  }
0x38: {  	v2 =	vld [tilespmem:s31+$0x0]  }
0x39: {  	v1 =	vld [tilespmem:s31+$0x10]  }
0x3a: {  	v0 =	vld [tilespmem:s31+$0x20]  }
0x3b: {  	v6 =	vld [tilespmem:s31+$0xFFFFFFC0]  }
0x3c: {  	v8 =	vld.idx.msk [tilespmem:v7+s12+$0x0], $0xffff  }
0x3d: {  	v9 =	vld.idx.msk [tilespmem:v5+s12+$0x0], $0xffff  }
0x3e: {  	v10 =	vld.idx.msk [tilespmem:v4+s12+$0x0], $0xffff  }
0x3f: {  	v11 =	vadd.s32 $0x80, v7;
	v12 =	vld.idx.msk [tilespmem:v3+s12+$0x0], $0xffff  }
0x40: {  	v13 =	vadd.s32 $0x80, v5;
	v14 =	vld.idx.msk [tilespmem:v2+s12+$0x0], $0xffff  }
0x41: {  	s23 =	simm.s32 $0x12200;
	v15 =	vadd.s32 $0x80, v4;
	v16 =	vld.idx.msk [tilespmem:v1+s12+$0x0], $0xffff  }
0x42: {  	v17 =	vadd.s32 $0x80, v3;
	v18 =	vld.idx.msk [tilespmem:v0+s12+$0x0], $0xffff;
	[tilespmem:s23+$0xFFFFFE70] =	vst v8  }
0x43: {  	v55 =	vadd.s32 $0x80, v1;
	v19 =	vld.idx.msk [tilespmem:v6+s12+$0x0], $0xffff;
	[tilespmem:s23+$0xFFFFFE10] =	vst v9  }
0x44: {  	v58 =	vadd.s32 $0x80, v6;
	[tilespmem:s23+$0xFFFFFE20] =	vst v10;
	v54 =	vld.idx.msk [tilespmem:v11+s12+$0x0], $0xffff  }
0x45: {  	v59 =	vadd.s32 $0x80, v0;
	[tilespmem:s23+$0xFFFFFE30] =	vst v12;
	v56 =	vld.idx.msk [tilespmem:v13+s12+$0x0], $0xffff  }
0x46: {  	v8 =	vadd.s32 $0x80, v2;
	[tilespmem:s23+$0xFFFFFE40] =	vst v14;
	v15 =	vld.idx.msk [tilespmem:v15+s12+$0x0], $0xffff  }
0x47: {  	v57 =	vadd.s32 $0x100, v7;
	[tilespmem:s23+$0xFFFFFE50] =	vst v16;
	v17 =	vld.idx.msk [tilespmem:v17+s12+$0x0], $0xffff  }
0x48: {  	v60 =	vadd.s32 $0x100, v5;
	[tilespmem:s23+$0xFFFFFE00] =	vst v19;
	v11 =	vld.idx.msk [tilespmem:v55+s12+$0x0], $0xffff  }
0x49: {  	v61 =	vadd.s32 $0x100, v4;
	[tilespmem:s23+$0xFFFFFE60] =	vst v18;
	v13 =	vld.idx.msk [tilespmem:v58+s12+$0x0], $0xffff  }
0x4a: {  	v62 =	vadd.s32 $0x100, v3;
	v21 =	vld.idx.msk [tilespmem:v59+s12+$0x0], $0xffff;
	[tilespmem:s23+$0xFFFFFEF0] =	vst v54  }
0x4b: {  	v23 =	vadd.s32 $0x100, v6;
	v8 =	vld.idx.msk [tilespmem:v8+s12+$0x0], $0xffff;
	[tilespmem:s23+$0xFFFFFE90] =	vst v56  }
0x4c: {  	v24 =	vadd.s32 $0x100, v1;
	[tilespmem:s23+$0xFFFFFEA0] =	vst v15;
	v12 =	vld.idx.msk [tilespmem:v57+s12+$0x0], $0xffff  }
0x4d: {  	v63 =	vadd.s32 $0x100, v2;
	[tilespmem:s23+$0xFFFFFEB0] =	vst v17;
	v16 =	vld.idx.msk [tilespmem:v60+s12+$0x0], $0xffff  }
0x4e: {  	v22 =	vadd.s32 $0x180, v7;
	[tilespmem:s23+$0xFFFFFED0] =	vst v11;
	v18 =	vld.idx.msk [tilespmem:v61+s12+$0x0], $0xffff  }
0x4f: {  	v25 =	vadd.s32 $0x180, v5;
	[tilespmem:s23+$0xFFFFFE80] =	vst v13;
	v9 =	vld.idx.msk [tilespmem:v62+s12+$0x0], $0xffff  }
0x50: {  	v26 =	vadd.s32 $0x180, v4;
	[tilespmem:s23+$0xFFFFFEE0] =	vst v21;
	v15 =	vld.idx.msk [tilespmem:v23+s12+$0x0], $0xffff  }
0x51: {  	v28 =	vadd.s32 $0x180, v3;
	v29 =	vld.idx.msk [tilespmem:v24+s12+$0x0], $0xffff;
	[tilespmem:s23+$0xFFFFFEC0] =	vst v8  }
0x52: {  	v31 =	vadd.s32 $0x180, v6;
	v19 =	vld.idx.msk [tilespmem:v63+s12+$0x0], $0xffff;
	[tilespmem:s23+$0xFFFFFF70] =	vst v12  }
0x53: {  	v33 =	vadd.s32 $0x180, v1;
	[tilespmem:s23+$0xFFFFFF10] =	vst v16;
	v27 =	vld.idx.msk [tilespmem:v22+s12+$0x0], $0xffff  }
0x54: {  	v8 =	vadd.s32 $0x100, v0;
	[tilespmem:s23+$0xFFFFFF20] =	vst v18;
	v11 =	vld.idx.msk [tilespmem:v25+s12+$0x0], $0xffff  }
0x55: {  	v32 =	vadd.s32 $0x180, v2;
	[tilespmem:s23+$0xFFFFFF30] =	vst v9;
	v12 =	vld.idx.msk [tilespmem:v26+s12+$0x0], $0xffff  }
0x56: {  	v30 =	vadd.s32 $0x200, v7;
	[tilespmem:s23+$0xFFFFFF00] =	vst v15;
	v14 =	vld.idx.msk [tilespmem:v28+s12+$0x0], $0xffff  }
0x57: {  	v35 =	vadd.s32 $0x200, v5;
	[tilespmem:s23+$0xFFFFFF50] =	vst v29;
	v17 =	vld.idx.msk [tilespmem:v31+s12+$0x0], $0xffff  }
0x58: {  	v37 =	vadd.s32 $0x200, v4;
	v9 =	vld.idx.msk [tilespmem:v33+s12+$0x0], $0xffff;
	[tilespmem:s23+$0xFFFFFF40] =	vst v19  }
0x59: {  	v39 =	vadd.s32 $0x200, v6;
	v8 =	vld.idx.msk [tilespmem:v8+s12+$0x0], $0xffff;
	[tilespmem:s23+$0xFFFFFFF0] =	vst v27  }
0x5a: {  	v40 =	vadd.s32 $0x200, v3;
	v38 =	vld.idx.msk [tilespmem:v32+s12+$0x0], $0xffff;
	[tilespmem:s23+$0xFFFFFF90] =	vst v11  }
0x5b: {  	v43 =	vadd.s32 $0x200, v1;
	[tilespmem:s23+$0xFFFFFFA0] =	vst v12;
	v36 =	vld.idx.msk [tilespmem:v30+s12+$0x0], $0xffff  }
0x5c: {  	v34 =	vadd.s32 $0x180, v0;
	[tilespmem:s23+$0xFFFFFFB0] =	vst v14;
	v13 =	vld.idx.msk [tilespmem:v35+s12+$0x0], $0xffff  }
0x5d: {  	v42 =	vadd.s32 $0x200, v2;
	[tilespmem:s23+$0xFFFFFF80] =	vst v17;
	v16 =	vld.idx.msk [tilespmem:v37+s12+$0x0], $0xffff  }
0x5e: {  	v18 =	vld.idx.msk [tilespmem:v39+s12+$0x0], $0xffff;
	[tilespmem:s23+$0xFFFFFF60] =	vst v8;
	v8 =	vadd.s32 $0x280, v7  }
0x5f: {  	v45 =	vadd.s32 $0x280, v5;
	[tilespmem:s23+$0xFFFFFFD0] =	vst v9;
	v46 =	vld.idx.msk [tilespmem:v40+s12+$0x0], $0xffff  }
0x60: {  	v48 =	vadd.s32 $0x280, v6;
	v50 =	vld.idx.msk [tilespmem:v43+s12+$0x0], $0xffff;
	[tilespmem:s23+$0xFFFFFFC0] =	vst v38  }
0x61: {  	v49 =	vadd.s32 $0x280, v4;
	v41 =	vld.idx.msk [tilespmem:v34+s12+$0x0], $0xffff;
	[tilespmem:s23+$0x70] =	vst v36  }
0x62: {  	v44 =	vadd.s32 $0x200, v0;
	v19 =	vld.idx.msk [tilespmem:v42+s12+$0x0], $0xffff;
	[tilespmem:s23+$0x10] =	vst v13  }
0x63: {  	v51 =	vadd.s32 $0x280, v3;
	[tilespmem:s23+$0x20] =	vst v16;
	v8 =	vld.idx.msk [tilespmem:v8+s12+$0x0], $0xffff  }
0x64: {  	v47 =	vadd.s32 $0x300, v7;
	[tilespmem:s23+$0x0] =	vst v18;
	v17 =	vld.idx.msk [tilespmem:v45+s12+$0x0], $0xffff  }
0x65: {  	v52 =	vadd.s32 $0x280, v2;
	[tilespmem:s23+$0x30] =	vst v46;
	v11 =	vld.idx.msk [tilespmem:v48+s12+$0x0], $0xffff  }
0x66: {  	v55 =	vadd.s32 $0x300, v6;
	v54 =	vld.idx.msk [tilespmem:v49+s12+$0x0], $0xffff;
	[tilespmem:s23+$0xFFFFFFE0] =	vst v41  }
0x67: {  	v56 =	vadd.s32 $0x300, v5;
	[tilespmem:s23+$0x50] =	vst v50;
	v15 =	vld.idx.msk [tilespmem:v44+s12+$0x0], $0xffff  }
0x68: {  	v53 =	vadd.s32 $0x280, v0;
	v14 =	vld.idx.msk [tilespmem:v51+s12+$0x0], $0xffff;
	[tilespmem:s23+$0xF0] =	vst v8  }
0x69: {  	[tilespmem:s23+$0x40] =	vst v19;
	v8 =	vadd.s32 $0x280, v1;
	v9 =	vld.idx.msk [tilespmem:v47+s12+$0x0], $0xffff  }
0x6a: {  	v7 =	vadd.s32 $0x380, v7;
	v16 =	vld.idx.msk [tilespmem:v52+s12+$0x0], $0xffff;
	[tilespmem:s23+$0x80] =	vst v11  }
0x6b: {  	v57 =	vadd.s32 $0x300, v4;
	[tilespmem:s23+$0x90] =	vst v17;
	v12 =	vld.idx.msk [tilespmem:v55+s12+$0x0], $0xffff  }
0x6c: {  	v58 =	vadd.s32 $0x300, v3;
	v13 =	vld.idx.msk [tilespmem:v56+s12+$0x0], $0xffff;
	[tilespmem:s23+$0x60] =	vst v15  }
0x6d: {  	v59 =	vadd.s32 $0x300, v2;
	[tilespmem:s23+$0xA0] =	vst v54;
	v18 =	vld.idx.msk [tilespmem:v53+s12+$0x0], $0xffff  }
0x6e: {  	v6 =	vadd.s32 $0x380, v6;
	v8 =	vld.idx.msk [tilespmem:v8+s12+$0x0], $0xffff;
	[tilespmem:s23+$0x170] =	vst v9  }
0x6f: {  	v60 =	vadd.s32 $0x300, v1;
	[tilespmem:s23+$0xB0] =	vst v14;
	v7 =	vld.idx.msk [tilespmem:v7+s12+$0x0], $0xffff  }
0x70: {  	v61 =	vadd.s32 $0x300, v0;
	v62 =	vld.idx.msk [tilespmem:v57+s12+$0x0], $0xffff;
	[tilespmem:s23+$0xC0] =	vst v16  }
0x71: {  	v5 =	vadd.s32 $0x380, v5;
	v63 =	vld.idx.msk [tilespmem:v58+s12+$0x0], $0xffff;
	[tilespmem:s23+$0x100] =	vst v12  }
0x72: {  	v3 =	vadd.s32 $0x380, v3;
	v9 =	vld.idx.msk [tilespmem:v59+s12+$0x0], $0xffff;
	[tilespmem:s23+$0xE0] =	vst v18  }
0x73: {  	v12 =	vld.idx.msk [tilespmem:v6+s12+$0x0], $0xffff;
	[tilespmem:s23+$0xD0] =	vst v8;
	v8 =	vadd.s32 $0x380, v4  }
0x74: {  	v11 =	vld.idx.msk [tilespmem:v60+s12+$0x0], $0xffff;
	[tilespmem:s23+$0x1F0] =	vst v7;
	v7 =	vadd.s32 $0x380, v2  }
0x75: {  	v1 =	vadd.s32 $0x380, v1;
	[tilespmem:s23+$0x110] =	vst v13;
	v10 =	vld.idx.msk [tilespmem:v61+s12+$0x0], $0xffff  }
0x76: {  	v0 =	vadd.s32 $0x380, v0;
	[tilespmem:s23+$0x130] =	vst v63;
	v4 =	vld.idx.msk [tilespmem:v5+s12+$0x0], $0xffff  }
0x77: {  	[tilespmem:s23+$0x120] =	vst v62;
	v2 =	vld.idx.msk [tilespmem:v3+s12+$0x0], $0xffff  }
0x78: {  	[tilespmem:s23+$0x140] =	vst v9;
	v5 =	vld.idx.msk [tilespmem:v8+s12+$0x0], $0xffff  }
0x79: {  	[tilespmem:s23+$0x150] =	vst v11;
	v6 =	vld.idx.msk [tilespmem:v7+s12+$0x0], $0xffff  }
0x7a: {  	[tilespmem:s23+$0x160] =	vst v10;
	v3 =	vld.idx.msk [tilespmem:v1+s12+$0x0], $0xffff  }
0x7b: {  	s24 =	simm.s32 $0x0;
	s25 =	simm.s32 $0xC0;
	s21 =	sor.u32 s6, s22;
	[tilespmem:s23+$0x180] =	vst v12;
	v1 =	vld.idx.msk [tilespmem:v0+s12+$0x0], $0xffff  }
.LBB2_4:
0x7c: {  	v0 =	vld [tilespmem:s25+$0x30];
	s24 =	sadd.s32 $0x8, s24;
	[tilespmem:s23+$0x190] =	vst v4  }
0x7d: {  	v7 =	vld [tilespmem:s25+$0xFFFFFFD0];
	p0 =	slt.u32 s24, $0xF8;
	[tilespmem:s23+$0x1A0] =	vst v5  }
0x7e: {  	v5 =	vld [tilespmem:s25+$0xFFFFFFE0];
	[tilespmem:s23+$0x1B0] =	vst v2  }
0x7f: {  	v2 =	vld [tilespmem:s25+$0xFFFFFFF0];
	[tilespmem:s23+$0x1C0] =	vst v6  }
0x80: {  	v6 =	vld [tilespmem:s25+$0x0];
	[tilespmem:s23+$0x1D0] =	vst v3  }
0x81: {  	v3 =	vld [tilespmem:s25+$0x10];
	[tilespmem:s23+$0x1E0] =	vst v1  }
0x82: {  	v1 =	vadd.s32 $0x80, v7;
	v21 =	vadd.s32 $0x100, v7;
	v22 =	vadd.s32 $0x180, v7;
	v23 =	vld [tilespmem:s25+$0x20]  }
0x83: {  	v4 =	vld [tilespmem:s25+$0xFFFFFFC0];
	v8 =	vadd.s32 $0x80, v5;
	v24 =	vadd.s32 $0x100, v5;
	v25 =	vadd.s32 $0x180, v5  }
0x84: {  	v9 =	vadd.s32 $0x80, v2;
	v26 =	vadd.s32 $0x100, v2;
	v27 =	vadd.s32 $0x180, v2;
	v10 =	vld.idx.msk [tilespmem:v0+s12+$0x0], $0xffff  }
0x85: {  	v11 =	vld.idx.msk [tilespmem:v7+s12+$0x0], $0xffff;
	v12 =	vadd.s32 $0x80, v6;
	v28 =	vadd.s32 $0x100, v6;
	v29 =	vadd.s32 $0x180, v6  }
0x86: {  	v14 =	vadd.s32 $0x80, v0;
	v13 =	vld.idx.msk [tilespmem:v5+s12+$0x0], $0xffff;
	v30 =	vadd.s32 $0x80, v3;
	v31 =	vadd.s32 $0x100, v3  }
0x87: {  	v32 =	vadd.s32 $0x180, v3;
	v16 =	vld.idx.msk [tilespmem:v2+s12+$0x0], $0xffff;
	v33 =	vadd.s32 $0x80, v23;
	v34 =	vadd.s32 $0x100, v23  }
0x88: {  	v35 =	vadd.s32 $0x80, v4;
	v36 =	vadd.s32 $0x100, v4;
	v37 =	vadd.s32 $0x180, v4;
	v20 =	vld.idx.msk [tilespmem:v6+s12+$0x0], $0xffff  }
0x89: {  	s23 =	sadd.s32 $0x400, s23;
	v39 =	vadd.s32 $0x200, v7;
	v41 =	vadd.s32 $0x180, v23;
	v38 =	vadd.s32 $0x200, v4;
	v40 =	vld.idx.msk [tilespmem:v3+s12+$0x0], $0xffff  }
0x8a: {  	v42 =	vadd.s32 $0x200, v5;
	v43 =	vadd.s32 $0x200, v2;
	v44 =	vadd.s32 $0x200, v6;
	v45 =	vld.idx.msk [tilespmem:v23+s12+$0x0], $0xffff;
	[tilespmem:s23+$0xFFFFFE70] =	vst v10  }
0x8b: {  	v46 =	vadd.s32 $0x200, v3;
	v47 =	vadd.s32 $0x200, v23;
	v15 =	vadd.s32 $0x280, v4;
	[tilespmem:s23+$0xFFFFFE10] =	vst v11;
	v48 =	vld.idx.msk [tilespmem:v14+s12+$0x0], $0xffff  }
0x8c: {  	v50 =	vadd.s32 $0x280, v7;
	v19 =	vadd.s32 $0x280, v5;
	v17 =	vadd.s32 $0x280, v2;
	v49 =	vld.idx.msk [tilespmem:v4+s12+$0x0], $0xffff;
	[tilespmem:s23+$0xFFFFFE20] =	vst v13  }
0x8d: {  	v52 =	vadd.s32 $0x100, v0;
	v18 =	vadd.s32 $0x280, v6;
	v51 =	vld.idx.msk [tilespmem:v1+s12+$0x0], $0xffff;
	[tilespmem:s23+$0xFFFFFE30] =	vst v16;
	v16 =	vadd.s32 $0x280, v3  }
0x8e: {  	v10 =	vadd.s32 $0x300, v7;
	v13 =	vadd.s32 $0x300, v4;
	v53 =	vld.idx.msk [tilespmem:v8+s12+$0x0], $0xffff;
	[tilespmem:s23+$0xFFFFFE40] =	vst v20;
	v20 =	vadd.s32 $0x280, v23  }
0x8f: {  	v14 =	vadd.s32 $0x300, v5;
	v11 =	vadd.s32 $0x300, v2;
	v8 =	vadd.s32 $0x300, v6;
	v54 =	vld.idx.msk [tilespmem:v9+s12+$0x0], $0xffff;
	[tilespmem:s23+$0xFFFFFE50] =	vst v40  }
0x90: {  	v4 =	vadd.s32 $0x380, v4;
	v9 =	vadd.s32 $0x300, v23;
	v40 =	vld.idx.msk [tilespmem:v12+s12+$0x0], $0xffff;
	v12 =	vadd.s32 $0x300, v3;
	[tilespmem:s23+$0xFFFFFE60] =	vst v45  }
0x91: {  	v7 =	vadd.s32 $0x380, v7;
	v5 =	vadd.s32 $0x380, v5;
	v2 =	vadd.s32 $0x380, v2;
	v30 =	vld.idx.msk [tilespmem:v30+s12+$0x0], $0xffff;
	[tilespmem:s23+$0xFFFFFEF0] =	vst v48  }
0x92: {  	v1 =	vadd.s32 $0x380, v23;
	v6 =	vadd.s32 $0x380, v6;
	v3 =	vadd.s32 $0x380, v3;
	[tilespmem:s23+$0xFFFFFE00] =	vst v49;
	v23 =	vld.idx.msk [tilespmem:v52+s12+$0x0], $0xffff  }
0x93: {  	v35 =	vld.idx.msk [tilespmem:v35+s12+$0x0], $0xffff;
	[tilespmem:s23+$0xFFFFFE90] =	vst v51  }
0x94: {  	v45 =	vadd.s32 $0x180, v0;
	[tilespmem:s23+$0xFFFFFEA0] =	vst v53;
	v33 =	vld.idx.msk [tilespmem:v33+s12+$0x0], $0xffff  }
0x95: {  	v21 =	vld.idx.msk [tilespmem:v21+s12+$0x0], $0xffff;
	[tilespmem:s23+$0xFFFFFEB0] =	vst v54  }
0x96: {  	v24 =	vld.idx.msk [tilespmem:v24+s12+$0x0], $0xffff;
	[tilespmem:s23+$0xFFFFFEC0] =	vst v40  }
0x97: {  	v26 =	vld.idx.msk [tilespmem:v26+s12+$0x0], $0xffff;
	[tilespmem:s23+$0xFFFFFED0] =	vst v30  }
0x98: {  	v28 =	vld.idx.msk [tilespmem:v28+s12+$0x0], $0xffff;
	[tilespmem:s23+$0xFFFFFF70] =	vst v23  }
0x99: {  	[tilespmem:s23+$0xFFFFFE80] =	vst v35;
	v23 =	vld.idx.msk [tilespmem:v45+s12+$0x0], $0xffff  }
0x9a: {  	v30 =	vld.idx.msk [tilespmem:v36+s12+$0x0], $0xffff;
	[tilespmem:s23+$0xFFFFFEE0] =	vst v33  }
0x9b: {  	[tilespmem:s23+$0xFFFFFF10] =	vst v21;
	v21 =	vld.idx.msk [tilespmem:v31+s12+$0x0], $0xffff;
	v31 =	vadd.s32 $0x200, v0  }
0x9c: {  	[tilespmem:s23+$0xFFFFFF20] =	vst v24;
	v24 =	vld.idx.msk [tilespmem:v34+s12+$0x0], $0xffff  }
0x9d: {  	v22 =	vld.idx.msk [tilespmem:v22+s12+$0x0], $0xffff;
	[tilespmem:s23+$0xFFFFFF30] =	vst v26  }
0x9e: {  	v25 =	vld.idx.msk [tilespmem:v25+s12+$0x0], $0xffff;
	[tilespmem:s23+$0xFFFFFF40] =	vst v28  }
0x9f: {  	v26 =	vld.idx.msk [tilespmem:v27+s12+$0x0], $0xffff;
	[tilespmem:s23+$0xFFFFFFF0] =	vst v23  }
0xa0: {  	[tilespmem:s23+$0xFFFFFF00] =	vst v30;
	v23 =	vld.idx.msk [tilespmem:v31+s12+$0x0], $0xffff  }
0xa1: {  	v27 =	vld.idx.msk [tilespmem:v37+s12+$0x0], $0xffff;
	[tilespmem:s23+$0xFFFFFF50] =	vst v21  }
0xa2: {  	v21 =	vld.idx.msk [tilespmem:v29+s12+$0x0], $0xffff;
	[tilespmem:s23+$0xFFFFFF60] =	vst v24;
	v24 =	vadd.s32 $0x280, v0  }
0xa3: {  	[tilespmem:s23+$0xFFFFFF90] =	vst v22;
	v22 =	vld.idx.msk [tilespmem:v32+s12+$0x0], $0xffff  }
0xa4: {  	[tilespmem:s23+$0xFFFFFFA0] =	vst v25;
	v25 =	vld.idx.msk [tilespmem:v41+s12+$0x0], $0xffff  }
0xa5: {  	v28 =	vld.idx.msk [tilespmem:v39+s12+$0x0], $0xffff;
	[tilespmem:s23+$0xFFFFFFB0] =	vst v26  }
0xa6: {  	v26 =	vld.idx.msk [tilespmem:v42+s12+$0x0], $0xffff;
	[tilespmem:s23+$0x70] =	vst v23  }
0xa7: {  	[tilespmem:s23+$0xFFFFFF80] =	vst v27;
	v23 =	vld.idx.msk [tilespmem:v24+s12+$0x0], $0xffff  }
0xa8: {  	v24 =	vld.idx.msk [tilespmem:v38+s12+$0x0], $0xffff;
	[tilespmem:s23+$0xFFFFFFC0] =	vst v21  }
0xa9: {  	v21 =	vld.idx.msk [tilespmem:v43+s12+$0x0], $0xffff;
	[tilespmem:s23+$0xFFFFFFD0] =	vst v22;
	v22 =	vadd.s32 $0x300, v0  }
0xaa: {  	v27 =	vld.idx.msk [tilespmem:v44+s12+$0x0], $0xffff;
	[tilespmem:s23+$0xFFFFFFE0] =	vst v25  }
0xab: {  	[tilespmem:s23+$0x10] =	vst v28;
	v25 =	vld.idx.msk [tilespmem:v46+s12+$0x0], $0xffff  }
0xac: {  	[tilespmem:s23+$0x20] =	vst v26;
	v26 =	vld.idx.msk [tilespmem:v47+s12+$0x0], $0xffff  }
0xad: {  	v28 =	vld.idx.msk [tilespmem:v50+s12+$0x0], $0xffff;
	[tilespmem:s23+$0xF0] =	vst v23  }
0xae: {  	[tilespmem:s23+$0x0] =	vst v24;
	v22 =	vld.idx.msk [tilespmem:v22+s12+$0x0], $0xffff  }
0xaf: {  	v15 =	vld.idx.msk [tilespmem:v15+s12+$0x0], $0xffff;
	[tilespmem:s23+$0x30] =	vst v21  }
0xb0: {  	v0 =	vadd.s32 $0x380, v0;
	v19 =	vld.idx.msk [tilespmem:v19+s12+$0x0], $0xffff;
	[tilespmem:s23+$0x40] =	vst v27  }
0xb1: {  	v17 =	vld.idx.msk [tilespmem:v17+s12+$0x0], $0xffff;
	[tilespmem:s23+$0x50] =	vst v25  }
0xb2: {  	v18 =	vld.idx.msk [tilespmem:v18+s12+$0x0], $0xffff;
	[tilespmem:s23+$0x60] =	vst v26  }
0xb3: {  	[tilespmem:s23+$0x90] =	vst v28;
	v16 =	vld.idx.msk [tilespmem:v16+s12+$0x0], $0xffff  }
0xb4: {  	v20 =	vld.idx.msk [tilespmem:v20+s12+$0x0], $0xffff;
	[tilespmem:s23+$0x170] =	vst v22  }
0xb5: {  	[tilespmem:s23+$0x80] =	vst v15;
	v0 =	vld.idx.msk [tilespmem:v0+s12+$0x0], $0xffff  }
0xb6: {  	v13 =	vld.idx.msk [tilespmem:v13+s12+$0x0], $0xffff;
	[tilespmem:s23+$0xA0] =	vst v19  }
0xb7: {  	v10 =	vld.idx.msk [tilespmem:v10+s12+$0x0], $0xffff;
	[tilespmem:s23+$0xB0] =	vst v17  }
0xb8: {  	v14 =	vld.idx.msk [tilespmem:v14+s12+$0x0], $0xffff;
	[tilespmem:s23+$0xC0] =	vst v18  }
0xb9: {  	v11 =	vld.idx.msk [tilespmem:v11+s12+$0x0], $0xffff;
	[tilespmem:s23+$0xD0] =	vst v16  }
0xba: {  	v8 =	vld.idx.msk [tilespmem:v8+s12+$0x0], $0xffff;
	[tilespmem:s23+$0xE0] =	vst v20  }
0xbb: {  	v12 =	vld.idx.msk [tilespmem:v12+s12+$0x0], $0xffff;
	[tilespmem:s23+$0x1F0] =	vst v0  }
0xbc: {  	[tilespmem:s23+$0x100] =	vst v13;
	v0 =	vld.idx.msk [tilespmem:v9+s12+$0x0], $0xffff  }
0xbd: {  	v9 =	vld.idx.msk [tilespmem:v4+s12+$0x0], $0xffff;
	[tilespmem:s23+$0x110] =	vst v10  }
0xbe: {  	v4 =	vld.idx.msk [tilespmem:v7+s12+$0x0], $0xffff;
	[tilespmem:s23+$0x120] =	vst v14  }
.Ltmp5:
0xbf: {  	v5 =	vld.idx.msk [tilespmem:v5+s12+$0x0], $0xffff;
	[tilespmem:s23+$0x130] =	vst v11;
	(pc) =	sbr.rel @p0 .LBB2_4-.Ltmp5, $4  }
0xc0: {  	v2 =	vld.idx.msk [tilespmem:v2+s12+$0x0], $0xffff;
	[tilespmem:s23+$0x140] =	vst v8  }
0xc1: {  	v6 =	vld.idx.msk [tilespmem:v6+s12+$0x0], $0xffff;
	[tilespmem:s23+$0x150] =	vst v12  }
0xc2: {  	v3 =	vld.idx.msk [tilespmem:v3+s12+$0x0], $0xffff;
	[tilespmem:s23+$0x160] =	vst v0  }
0xc3: {  	s25 =	sadd.s32 $0x80, s25;
	[tilespmem:s23+$0x180] =	vst v9;
	v1 =	vld.idx.msk [tilespmem:v1+s12+$0x0], $0xffff  }
0xc4: {  	[tilespmem:s23+$0x190] =	vst v4;
	p0 =	sgt.u32 s22, $0x269  }
.Ltmp6:
0xc5: {  	[tilespmem:s23+$0x1A0] =	vst v5;
	(pc) =	sbr.rel @p0 .LBB2_9-.Ltmp6, $4  }
0xc6: {  	[tilespmem:s23+$0x1B0] =	vst v2  }
0xc7: {  	[tilespmem:s23+$0x1C0] =	vst v6  }
0xc8: {  	s24 =	sadd.s32 $0x20, s21;
	[tilespmem:s23+$0x1D0] =	vst v3  }
0xc9: {  	s22 =	sshrl.u32 s24, $0x1;
	[tilespmem:s23+$0x1E0] =	vst v1  }
0xca: {  	s23 =	simm.s32 $0x0;
	s28 =	simm.s32 $0x19  }
0xcb: {  	p1 =	sge.s32 s22, $0x19;
	s26 =	simm.s32 $0x1;
	s24 =	simm.s32 $0x0  }
0xcc: {  	s25 =	simm.s32 $0x18;
	s26 =	simm.s32 @!p1 $0x0;
	s24 =	smov.u32 @p1 s28  }
.LBB2_7:
0xcd: {  	p1 =	sne.s32 s25, $0x1;
	s25 =	sadd.s32 $0xFFFFFFFF, s25;
	s23 =	sadd.s32 s26, s23  }
.Ltmp7:
0xce: {  	(pc) =	sbr.rel @p1 .LBB2_7-.Ltmp7, $4  }
0xcf: {  	s26 =	ssub.s32 s24, s23  }
0xd0: {  	s28 =	sadd.s32 $0x19, s26  }
0xd1: {  	s26 =	simm.s32 $0x1;
	p2 =	sle.s32 s28, s22  }
0xd2: {  	s26 =	simm.s32 @!p2 $0x0;
	s24 =	smov.u32 @p2 s28  }
0xd3: {  	s23 =	sadd.s32 s26, s23  }
0xd4: {  	s25 =	sadd.s32 s23, s22  }
0xd5: {  	s24 =	ssub.s32 s25, s24  }
0xd6: {  	s24 =	sshll.u32 s24, $0x1  }
0xd7: {  	s24 =	sor.u32 s6, s24  }
0xd8: {  	s24 =	smul.u32 $0xD0000, s24  }
0xd9: {  	s31 =	sshll.u32 s23, $0xF  }
0xda: {  	s24 =	sadd.s32 s31, s24  }
0xdb: {  	s24 =	sadd.s32 $0x1A0000, s24  }
0xdc: {  	s23 =	sshll.u32 s23, $0x9;
	s24 =	sshrl.u32 s24, $0x3  }
0xdd: {  	s23 =	sand.u32 $0x1FFFFE00, s23;
	s24 =	sadd.s32 s1, s24  }
0xde: {  	[tilespmem:s12], [sflag:$0x1] =	stream.linear.gather [hbm4b:s24+s4], $0x8000, $0x38;
	[tilespmem:$0x1A000] =	vst v63  }
0xdf: {  	s23 =	sadd.s32 s5, s23  }
0xe0: {  	[tilespmem:s4], [sflag:$0x1] =	stream.linear.gather [hbm4b:s23+s4], $0x1000, $0x38;
	[tilespmem:$0x1A000] =	vst v63  }
.LBB2_9:
0xe1: {  	_ =	swait.ge [sflag:s16], $0x8000  }
0xe2: {  	[sflag:s16] =	ssyncset.done $0x0  }
0xe3: {  	[sflag:s16] =	ssyncadd.s32 $0xFFFF8000  }
0xe4: {  	_ =	swait.ge [sflag:s16], $0x1000  }
0xe5: {  	[sflag:s16] =	ssyncset.done $0x0  }
0xe6: {  	s23 =	simm.s32 $0x1040;
	[sflag:s16] =	ssyncadd.s32 $0xFFFFF000  }
0xe7: {  	v7 =	vld [tilespmem:s23+$0x30]  }
0xe8: {  	v5 =	vld [tilespmem:s23+$0xFFFFFFD0]  }
0xe9: {  	v4 =	vld [tilespmem:s23+$0xFFFFFFE0]  }
0xea: {  	v3 =	vld [tilespmem:s23+$0xFFFFFFF0]  }
0xeb: {  	v2 =	vld [tilespmem:s23+$0x0]  }
0xec: {  	v1 =	vld [tilespmem:s23+$0x10]  }
0xed: {  	v0 =	vld [tilespmem:s23+$0x20]  }
0xee: {  	v6 =	vld [tilespmem:s23+$0xFFFFFFC0];
	s23 =	simm.s32 $0x12200  }
0xef: {  	v9 =	vld [tilespmem:s23+$0xFFFFFE70]  }
0xf0: {  	v34 =	vld [tilespmem:s23+$0xFFFFFEF0]  }
0xf1: {  	v17 =	vld [tilespmem:s23+$0xFFFFFE00]  }
0xf2: {  	v18 =	vld [tilespmem:s23+$0xFFFFFE10]  }
0xf3: {  	v19 =	vld [tilespmem:s23+$0xFFFFFE20]  }
0xf4: {  	v21 =	vld [tilespmem:s23+$0xFFFFFE30]  }
0xf5: {  	v23 =	vld [tilespmem:s23+$0xFFFFFE40]  }
0xf6: {  	v24 =	vld [tilespmem:s23+$0xFFFFFE50]  }
0xf7: {  	v38 =	vld [tilespmem:s23+$0xFFFFFF70]  }
0xf8: {  	v45 =	vld [tilespmem:s23+$0xFFFFFFF0]  }
0xf9: {  	v46 =	vld [tilespmem:s23+$0xFFFFFE80]  }
0xfa: {  	v47 =	vld [tilespmem:s23+$0xFFFFFE90]  }
0xfb: {  	v48 =	vld [tilespmem:s23+$0xFFFFFEA0]  }
0xfc: {  	v50 =	vld [tilespmem:s23+$0xFFFFFEB0]  }
0xfd: {  	v52 =	vld [tilespmem:s23+$0xFFFFFEC0]  }
0xfe: {  	v54 =	vld [tilespmem:s23+$0xFFFFFED0]  }
0xff: {  	v56 =	vld [tilespmem:s23+$0xFFFFFEE0]  }
0x100: {  	v59 =	vld [tilespmem:s23+$0x70]  }
0x101: {  	v31 =	vld [tilespmem:s23+$0xF0]  }
0x102: {  	v32 =	vld [tilespmem:s23+$0xFFFFFF00]  }
0x103: {  	v33 =	vld [tilespmem:s23+$0xFFFFFF10]  }
0x104: {  	v25 =	vld [tilespmem:s23+$0x0]  }
0x105: {  	v8 =	vld.idx.msk [tilespmem:v7+s13+$0x0], $0xffff  }
0x106: {  	v10 =	vld.idx.msk [tilespmem:v5+s13+$0x0], $0xffff  }
0x107: {  	v11 =	vld.idx.msk [tilespmem:v4+s13+$0x0], $0xffff  }
0x108: {  	v13 =	vadd.s32 $0x80, v7;
	v12 =	vld.idx.msk [tilespmem:v3+s13+$0x0], $0xffff  }
0x109: {  	v35 =	vadd.s32 $0x80, v5;
	v14 =	vld.idx.msk [tilespmem:v2+s13+$0x0], $0xffff  }
0x10a: {  	v36 =	vadd.s32 $0x80, v4;
	v8 =	vmul.f32 v9, v8;
	v9 =	vld.idx.msk [tilespmem:v6+s13+$0x0], $0xffff  }
0x10b: {  	v37 =	vadd.s32 $0x80, v3;
	v15 =	vld.idx.msk [tilespmem:v1+s13+$0x0], $0xffff;
	v10 =	vmul.f32 v18, v10  }
0x10c: {  	v16 =	vld.idx.msk [tilespmem:v0+s13+$0x0], $0xffff;
	v11 =	vmul.f32 v19, v11;
	[tilespmem:s23+$0xFFFFFE70] =	vst v8  }
0x10d: {  	v22 =	vadd.s32 $0x80, v6;
	v12 =	vmul.f32 v21, v12;
	[tilespmem:s23+$0xFFFFFE10] =	vst v10;
	v8 =	vld.idx.msk [tilespmem:v13+s13+$0x0], $0xffff  }
0x10e: {  	[tilespmem:s23+$0xFFFFFE20] =	vst v11;
	v11 =	vmul.f32 v23, v14;
	v13 =	vld.idx.msk [tilespmem:v35+s13+$0x0], $0xffff  }
0x10f: {  	[tilespmem:s23+$0xFFFFFE30] =	vst v12;
	v42 =	vld.idx.msk [tilespmem:v36+s13+$0x0], $0xffff;
	v9 =	vmul.f32 v17, v9  }
0x110: {  	[tilespmem:s23+$0xFFFFFE40] =	vst v11;
	v11 =	vld.idx.msk [tilespmem:v37+s13+$0x0], $0xffff  }
0x111: {  	v20 =	vadd.s32 $0x100, v7;
	v36 =	vld [tilespmem:s23+$0xFFFFFF30];
	[tilespmem:s23+$0xFFFFFE00] =	vst v9  }
0x112: {  	v55 =	vadd.s32 $0x100, v4;
	v8 =	vmul.f32 v34, v8;
	v39 =	vld.idx.msk [tilespmem:v22+s13+$0x0], $0xffff  }
0x113: {  	v53 =	vadd.s32 $0x100, v5;
	v13 =	vmul.f32 v47, v13;
	v34 =	vld [tilespmem:s23+$0xFFFFFF20]  }
0x114: {  	v9 =	vadd.s32 $0x80, v2;
	v14 =	vmul.f32 v48, v42;
	v42 =	vld [tilespmem:s23+$0xFFFFFF60];
	[tilespmem:s23+$0xFFFFFEF0] =	vst v8  }
0x115: {  	v11 =	vmul.f32 v50, v11;
	v8 =	vld [tilespmem:s23+$0xFFFFFE60];
	[tilespmem:s23+$0xFFFFFE90] =	vst v13  }
0x116: {  	[tilespmem:s23+$0xFFFFFEA0] =	vst v14;
	v20 =	vld.idx.msk [tilespmem:v20+s13+$0x0], $0xffff  }
0x117: {  	[tilespmem:s23+$0xFFFFFEB0] =	vst v11;
	v11 =	vld.idx.msk [tilespmem:v55+s13+$0x0], $0xffff  }
0x118: {  	v10 =	vadd.s32 $0x80, v1;
	v63 =	vld.idx.msk [tilespmem:v53+s13+$0x0], $0xffff  }
0x119: {  	v9 =	vld.idx.msk [tilespmem:v9+s13+$0x0], $0xffff  }
0x11a: {  	v40 =	vadd.s32 $0x80, v0;
	v41 =	vmul.f32 v24, v15;
	v53 =	vld [tilespmem:s23+$0xFFFFFF90]  }
0x11b: {  	v51 =	vadd.s32 $0x100, v6;
	v8 =	vmul.f32 v8, v16;
	v44 =	vmul.f32 v38, v20;
	v38 =	vld [tilespmem:s23+$0xFFFFFF40]  }
0x11c: {  	[tilespmem:s23+$0xFFFFFE50] =	vst v41;
	v11 =	vmul.f32 v34, v11;
	v34 =	vld [tilespmem:s23+$0x40]  }
0x11d: {  	v43 =	vadd.s32 $0x180, v7;
	v16 =	vmul.f32 v46, v39;
	[tilespmem:s23+$0xFFFFFE60] =	vst v8;
	v8 =	vld.idx.msk [tilespmem:v10+s13+$0x0], $0xffff  }
0x11e: {  	v39 =	vadd.s32 $0x180, v5;
	v9 =	vmul.f32 v52, v9;
	v52 =	vld [tilespmem:s23+$0xFFFFFF80]  }
0x11f: {  	[tilespmem:s23+$0xFFFFFE80] =	vst v16;
	v10 =	vld.idx.msk [tilespmem:v40+s13+$0x0], $0xffff  }
0x120: {  	v57 =	vadd.s32 $0x100, v3;
	v14 =	vmul.f32 v33, v63;
	v61 =	vld.idx.msk [tilespmem:v51+s13+$0x0], $0xffff  }
0x121: {  	[tilespmem:s23+$0xFFFFFF70] =	vst v44;
	v40 =	vld [tilespmem:s23+$0xFFFFFF50]  }
0x122: {  	[tilespmem:s23+$0xFFFFFF10] =	vst v14;
	v12 =	vld.idx.msk [tilespmem:v43+s13+$0x0], $0xffff  }
0x123: {  	v58 =	vadd.s32 $0x100, v2;
	[tilespmem:s23+$0xFFFFFF20] =	vst v11;
	v11 =	vld.idx.msk [tilespmem:v39+s13+$0x0], $0xffff  }
0x124: {  	v8 =	vmul.f32 v54, v8;
	v54 =	vld [tilespmem:s23+$0xFFFFFFA0]  }
0x125: {  	[tilespmem:s23+$0xFFFFFEC0] =	vst v9;
	v9 =	vmul.f32 v56, v10;
	v10 =	vld.idx.msk [tilespmem:v57+s13+$0x0], $0xffff  }
0x126: {  	v60 =	vadd.s32 $0x100, v1;
	v56 =	vld [tilespmem:s23+$0xFFFFFFB0]  }
0x127: {  	v16 =	vmul.f32 v32, v61;
	v32 =	vld [tilespmem:s23+$0x30]  }
0x128: {  	[tilespmem:s23+$0xFFFFFED0] =	vst v8;
	v8 =	vld.idx.msk [tilespmem:v58+s13+$0x0], $0xffff  }
0x129: {  	v62 =	vadd.s32 $0x100, v0;
	v12 =	vmul.f32 v45, v12;
	v45 =	vld [tilespmem:s23+$0x170]  }
0x12a: {  	v37 =	vadd.s32 $0x180, v6;
	v58 =	vld [tilespmem:s23+$0xFFFFFFC0]  }
0x12b: {  	[tilespmem:s23+$0xFFFFFEE0] =	vst v9;
	v9 =	vld.idx.msk [tilespmem:v60+s13+$0x0], $0xffff  }
0x12c: {  	v49 =	vadd.s32 $0x200, v7;
	v60 =	vld [tilespmem:s23+$0xFFFFFFD0]  }
0x12d: {  	v57 =	vadd.s32 $0x200, v5;
	v11 =	vmul.f32 v53, v11;
	v53 =	vld [tilespmem:s23+$0x100]  }
0x12e: {  	[tilespmem:s23+$0xFFFFFF00] =	vst v16;
	v30 =	vld.idx.msk [tilespmem:v62+s13+$0x0], $0xffff  }
0x12f: {  	v47 =	vld.idx.msk [tilespmem:v37+s13+$0x0], $0xffff  }
0x130: {  	[tilespmem:s23+$0xFFFFFFF0] =	vst v12;
	v62 =	vld [tilespmem:s23+$0xFFFFFFE0]  }
0x131: {  	v41 =	vadd.s32 $0x180, v4;
	v19 =	vld.idx.msk [tilespmem:v49+s13+$0x0], $0xffff;
	[tilespmem:s23+$0xFFFFFF90] =	vst v11  }
0x132: {  	v27 =	vld.idx.msk [tilespmem:v57+s13+$0x0], $0xffff  }
0x133: {  	v43 =	vadd.s32 $0x180, v3;
	v10 =	vmul.f32 v36, v10;
	v36 =	vld [tilespmem:s23+$0x50]  }
0x134: {  	v57 =	vld [tilespmem:s23+$0x120]  }
0x135: {  	v44 =	vadd.s32 $0x180, v2;
	v8 =	vmul.f32 v38, v8;
	v38 =	vld [tilespmem:s23+$0x60]  }
0x136: {  	[tilespmem:s23+$0xFFFFFF30] =	vst v10;
	v10 =	vld.idx.msk [tilespmem:v41+s13+$0x0], $0xffff  }
0x137: {  	v46 =	vadd.s32 $0x180, v1;
	v9 =	vmul.f32 v40, v9;
	v40 =	vld [tilespmem:s23+$0x80]  }
0x138: {  	v49 =	vld.idx.msk [tilespmem:v43+s13+$0x0], $0xffff  }
0x139: {  	v48 =	vadd.s32 $0x180, v0;
	[tilespmem:s23+$0xFFFFFF40] =	vst v8;
	v13 =	vmul.f32 v52, v47;
	v47 =	vld [tilespmem:s23+$0xC0]  }
0x13a: {  	v55 =	vadd.s32 $0x200, v6;
	[tilespmem:s23+$0xFFFFFF50] =	vst v9;
	v9 =	vld.idx.msk [tilespmem:v44+s13+$0x0], $0xffff  }
0x13b: {  	v28 =	vadd.s32 $0x280, v7;
	v8 =	vmul.f32 v42, v30;
	v44 =	vld [tilespmem:s23+$0xA0]  }
0x13c: {  	v14 =	vld.idx.msk [tilespmem:v46+s13+$0x0], $0xffff  }
0x13d: {  	v29 =	vmul.f32 v59, v19;
	[tilespmem:s23+$0xFFFFFF60] =	vst v8;
	v8 =	vld [tilespmem:s23+$0x1F0]  }
0x13e: {  	v59 =	vadd.s32 $0x200, v4;
	[tilespmem:s23+$0xFFFFFF80] =	vst v13;
	v51 =	vld.idx.msk [tilespmem:v48+s13+$0x0], $0xffff  }
0x13f: {  	[tilespmem:s23+$0x70] =	vst v29;
	v18 =	vld.idx.msk [tilespmem:v55+s13+$0x0], $0xffff  }
0x140: {  	v12 =	vld.idx.msk [tilespmem:v28+s13+$0x0], $0xffff;
	v10 =	vmul.f32 v54, v10  }
0x141: {  	v61 =	vadd.s32 $0x200, v3;
	v11 =	vmul.f32 v56, v49;
	v49 =	vld [tilespmem:s23+$0xD0]  }
0x142: {  	v63 =	vadd.s32 $0x200, v2;
	[tilespmem:s23+$0xFFFFFFA0] =	vst v10;
	v9 =	vmul.f32 v58, v9;
	v58 =	vld [tilespmem:s23+$0x130]  }
0x143: {  	v26 =	vadd.s32 $0x200, v1;
	v28 =	vld.idx.msk [tilespmem:v59+s13+$0x0], $0xffff  }
0x144: {  	v10 =	vadd.s32 $0x200, v0;
	v59 =	vld [tilespmem:s23+$0x140]  }
0x145: {  	[tilespmem:s23+$0xFFFFFFB0] =	vst v11;
	v11 =	vmul.f32 v60, v14;
	v60 =	vld [tilespmem:s23+$0x150]  }
0x146: {  	v29 =	vld.idx.msk [tilespmem:v61+s13+$0x0], $0xffff;
	[tilespmem:s23+$0xFFFFFFC0] =	vst v9;
	v9 =	vmul.f32 v62, v51  }
0x147: {  	v13 =	vld.idx.msk [tilespmem:v63+s13+$0x0], $0xffff;
	[tilespmem:s23+$0xFFFFFFD0] =	vst v11  }
0x148: {  	v30 =	vadd.s32 $0x280, v6;
	v11 =	vld.idx.msk [tilespmem:v26+s13+$0x0], $0xffff;
	[tilespmem:s23+$0xFFFFFFE0] =	vst v9  }
0x149: {  	v9 =	vld.idx.msk [tilespmem:v10+s13+$0x0], $0xffff  }
0x14a: {  	v17 =	vmul.f32 v25, v18;
	v10 =	vld [tilespmem:s23+$0x10]  }
0x14b: {  	v39 =	vadd.s32 $0x280, v2;
	v51 =	vld [tilespmem:s23+$0xE0];
	v12 =	vmul.f32 v31, v12  }
0x14c: {  	v61 =	vld [tilespmem:s23+$0x160];
	[tilespmem:s23+$0x0] =	vst v17  }
0x14d: {  	v33 =	vadd.s32 $0x280, v5;
	[tilespmem:s23+$0xF0] =	vst v12;
	v12 =	vld.idx.msk [tilespmem:v30+s13+$0x0], $0xffff;
	v13 =	vmul.f32 v34, v13  }
0x14e: {  	v35 =	vadd.s32 $0x300, v7;
	v31 =	vld [tilespmem:s23+$0x20];
	v11 =	vmul.f32 v36, v11  }
0x14f: {  	v41 =	vadd.s32 $0x280, v0;
	v62 =	vld [tilespmem:s23+$0x180];
	v10 =	vmul.f32 v10, v27;
	[tilespmem:s23+$0x40] =	vst v13  }
0x150: {  	v43 =	vadd.s32 $0x300, v6;
	v13 =	vld.idx.msk [tilespmem:v39+s13+$0x0], $0xffff;
	[tilespmem:s23+$0x50] =	vst v11  }
0x151: {  	v9 =	vmul.f32 v38, v9;
	v11 =	vld [tilespmem:s23+$0x90];
	[tilespmem:s23+$0x10] =	vst v10;
	v10 =	vadd.s32 $0x280, v1  }
0x152: {  	v37 =	vadd.s32 $0x280, v3;
	v12 =	vmul.f32 v40, v12;
	v21 =	vld.idx.msk [tilespmem:v33+s13+$0x0], $0xffff  }
0x153: {  	v19 =	vld.idx.msk [tilespmem:v35+s13+$0x0], $0xffff;
	v35 =	vadd.s32 $0x280, v4;
	v15 =	vmul.f32 v31, v28;
	[tilespmem:s23+$0x60] =	vst v9  }
0x154: {  	v14 =	vmul.f32 v32, v29;
	[tilespmem:s23+$0x80] =	vst v12;
	v9 =	vld.idx.msk [tilespmem:v41+s13+$0x0], $0xffff  }
0x155: {  	v52 =	vadd.s32 $0x300, v2;
	[tilespmem:s23+$0x20] =	vst v15;
	v15 =	vld.idx.msk [tilespmem:v43+s13+$0x0], $0xffff  }
0x156: {  	v46 =	vadd.s32 $0x300, v5;
	[tilespmem:s23+$0x30] =	vst v14;
	v13 =	vmul.f32 v47, v13;
	v10 =	vld.idx.msk [tilespmem:v10+s13+$0x0], $0xffff  }
0x157: {  	v54 =	vadd.s32 $0x300, v0;
	v14 =	vld.idx.msk [tilespmem:v37+s13+$0x0], $0xffff;
	v11 =	vmul.f32 v11, v21  }
0x158: {  	v6 =	vadd.s32 $0x380, v6;
	v50 =	vmul.f32 v45, v19;
	v42 =	vld.idx.msk [tilespmem:v35+s13+$0x0], $0xffff;
	[tilespmem:s23+$0xC0] =	vst v13  }
0x159: {  	v45 =	vld [tilespmem:s23+$0xB0];
	v9 =	vmul.f32 v51, v9;
	[tilespmem:s23+$0x90] =	vst v11;
	v11 =	vadd.s32 $0x300, v1  }
0x15a: {  	[tilespmem:s23+$0x170] =	vst v50;
	v15 =	vmul.f32 v53, v15;
	v13 =	vld.idx.msk [tilespmem:v52+s13+$0x0], $0xffff  }
0x15b: {  	v7 =	vadd.s32 $0x380, v7;
	[tilespmem:s23+$0xE0] =	vst v9;
	v55 =	vld.idx.msk [tilespmem:v46+s13+$0x0], $0xffff;
	v10 =	vmul.f32 v49, v10  }
0x15c: {  	v48 =	vadd.s32 $0x300, v4;
	[tilespmem:s23+$0x100] =	vst v15;
	v9 =	vld.idx.msk [tilespmem:v54+s13+$0x0], $0xffff  }
0x15d: {  	v50 =	vadd.s32 $0x300, v3;
	v6 =	vld.idx.msk [tilespmem:v6+s13+$0x0], $0xffff;
	[tilespmem:s23+$0xD0] =	vst v10  }
0x15e: {  	v2 =	vadd.s32 $0x380, v2;
	v17 =	vmul.f32 v44, v42;
	v10 =	vld.idx.msk [tilespmem:v11+s13+$0x0], $0xffff  }
0x15f: {  	v14 =	vmul.f32 v45, v14;
	v11 =	vld [tilespmem:s23+$0x110]  }
0x160: {  	v7 =	vld.idx.msk [tilespmem:v7+s13+$0x0], $0xffff;
	[tilespmem:s23+$0xA0] =	vst v17;
	v13 =	vmul.f32 v59, v13  }
0x161: {  	v0 =	vadd.s32 $0x380, v0;
	[tilespmem:s23+$0xB0] =	vst v14;
	v56 =	vld.idx.msk [tilespmem:v48+s13+$0x0], $0xffff  }
0x162: {  	v12 =	vld.idx.msk [tilespmem:v50+s13+$0x0], $0xffff;
	[tilespmem:s23+$0x140] =	vst v13;
	v9 =	vmul.f32 v61, v9  }
0x163: {  	v5 =	vadd.s32 $0x380, v5;
	v6 =	vmul.f32 v62, v6;
	v2 =	vld.idx.msk [tilespmem:v2+s13+$0x0], $0xffff  }
0x164: {  	v4 =	vadd.s32 $0x380, v4;
	[tilespmem:s23+$0x160] =	vst v9;
	v9 =	vld [tilespmem:s23+$0x1A0];
	v11 =	vmul.f32 v11, v55  }
0x165: {  	v3 =	vadd.s32 $0x380, v3;
	[tilespmem:s23+$0x180] =	vst v6;
	v6 =	vld [tilespmem:s23+$0x1E0];
	v10 =	vmul.f32 v60, v10  }
0x166: {  	v1 =	vadd.s32 $0x380, v1;
	v14 =	vmul.f32 v57, v56;
	v0 =	vld.idx.msk [tilespmem:v0+s13+$0x0], $0xffff;
	[tilespmem:s23+$0x110] =	vst v11  }
0x167: {  	v11 =	vmul.f32 v58, v12;
	[tilespmem:s23+$0x150] =	vst v10;
	v10 =	vld [tilespmem:s23+$0x190]  }
0x168: {  	[tilespmem:s23+$0x120] =	vst v14;
	v63 =	vld.idx.msk [tilespmem:v5+s13+$0x0], $0xffff  }
0x169: {  	v5 =	vld.idx.msk [tilespmem:v4+s13+$0x0], $0xffff;
	[tilespmem:s23+$0x130] =	vst v11  }
0x16a: {  	v4 =	vld.idx.msk [tilespmem:v3+s13+$0x0], $0xffff  }
0x16b: {  	v3 =	vld.idx.msk [tilespmem:v1+s13+$0x0], $0xffff  }
0x16c: {  	v1 =	vmul.f32 v8, v7;
	v8 =	vld [tilespmem:s23+$0x1B0]  }
0x16d: {  	v7 =	vld [tilespmem:s23+$0x1C0]  }
0x16e: {  	s24 =	simm.s32 $0x0;
	s25 =	simm.s32 $0x10C0;
	[tilespmem:s23+$0x1F0] =	vst v1;
	v1 =	vld [tilespmem:s23+$0x1D0];
	v10 =	vmul.f32 v10, v63  }
.LBB2_10:
0x16f: {  	_ =	sdelay $0x2  }
0x170: {  	v21 =	vld [tilespmem:s25+$0x30]  }
0x171: {  	v43 =	vld [tilespmem:s25+$0xFFFFFFD0];
	v5 =	vmul.f32 v9, v5  }
0x172: {  	v44 =	vld [tilespmem:s25+$0xFFFFFFE0];
	[tilespmem:s23+$0x190] =	vst v10;
	v4 =	vmul.f32 v8, v4  }
0x173: {  	v45 =	vld [tilespmem:s25+$0xFFFFFFF0];
	v2 =	vmul.f32 v7, v2;
	[tilespmem:s23+$0x1A0] =	vst v5  }
0x174: {  	v46 =	vld [tilespmem:s25+$0x0];
	v1 =	vmul.f32 v1, v3;
	[tilespmem:s23+$0x1B0] =	vst v4  }
0x175: {  	v47 =	vld [tilespmem:s25+$0x10];
	v0 =	vmul.f32 v6, v0;
	[tilespmem:s23+$0x1C0] =	vst v2  }
0x176: {  	[tilespmem:s23+$0x1D0] =	vst v1;
	v1 =	vld [tilespmem:s25+$0x20]  }
0x177: {  	[tilespmem:s23+$0x1E0] =	vst v0;
	v0 =	vld [tilespmem:s25+$0xFFFFFFC0];
	s23 =	sadd.s32 $0x400, s23  }
0x178: {  	v3 =	vld [tilespmem:s23+$0xFFFFFE70]  }
0x179: {  	v63 =	vld [tilespmem:s23+$0xFFFFFEF0]  }
0x17a: {  	v48 =	vadd.s32 $0x80, v43;
	v36 =	vadd.s32 $0x100, v43;
	v2 =	vld.idx.msk [tilespmem:v21+s13+$0x0], $0xffff  }
0x17b: {  	v29 =	vadd.s32 $0x180, v43;
	v49 =	vadd.s32 $0x80, v44;
	v38 =	vadd.s32 $0x100, v44;
	v52 =	vld.idx.msk [tilespmem:v43+s13+$0x0], $0xffff  }
0x17c: {  	v50 =	vadd.s32 $0x80, v45;
	v37 =	vadd.s32 $0x100, v45;
	v30 =	vadd.s32 $0x180, v45;
	v54 =	vld.idx.msk [tilespmem:v44+s13+$0x0], $0xffff  }
0x17d: {  	v51 =	vadd.s32 $0x80, v46;
	v39 =	vadd.s32 $0x100, v46;
	v32 =	vadd.s32 $0x180, v46;
	v57 =	vld.idx.msk [tilespmem:v45+s13+$0x0], $0xffff  }
0x17e: {  	v53 =	vadd.s32 $0x80, v47;
	v40 =	vadd.s32 $0x100, v47;
	v33 =	vadd.s32 $0x180, v47;
	v58 =	vld.idx.msk [tilespmem:v46+s13+$0x0], $0xffff  }
0x17f: {  	v27 =	vadd.s32 $0x200, v43;
	v24 =	vadd.s32 $0x200, v45;
	v4 =	vadd.s32 $0x80, v21;
	v59 =	vld.idx.msk [tilespmem:v47+s13+$0x0], $0xffff  }
0x180: {  	v19 =	vadd.s32 $0x280, v43;
	v11 =	vadd.s32 $0x300, v43;
	v5 =	vadd.s32 $0x380, v43;
	v43 =	vld [tilespmem:s23+$0xFFFFFE20]  }
0x181: {  	v25 =	vadd.s32 $0x200, v46;
	v56 =	vadd.s32 $0x80, v0;
	v2 =	vmul.f32 v3, v2;
	v3 =	vld [tilespmem:s23+$0xFFFFFE00]  }
0x182: {  	v42 =	vadd.s32 $0x100, v0;
	v35 =	vadd.s32 $0x180, v0;
	v28 =	vadd.s32 $0x200, v0;
	v60 =	vld.idx.msk [tilespmem:v0+s13+$0x0], $0xffff  }
0x183: {  	v20 =	vadd.s32 $0x280, v0;
	v13 =	vadd.s32 $0x300, v0;
	v6 =	vadd.s32 $0x380, v0;
	v0 =	vld [tilespmem:s23+$0xFFFFFE10];
	[tilespmem:s23+$0xFFFFFE70] =	vst v2  }
0x184: {  	v23 =	vadd.s32 $0x200, v47;
	v18 =	vadd.s32 $0x280, v45;
	v2 =	vadd.s32 $0x380, v44;
	v62 =	vld.idx.msk [tilespmem:v4+s13+$0x0], $0xffff  }
0x185: {  	v16 =	vadd.s32 $0x280, v46;
	v14 =	vadd.s32 $0x280, v47;
	v10 =	vadd.s32 $0x300, v45;
	[tilespmem:$0x1FFF0] =	vst v2;
	v2 =	vld [tilespmem:s23+$0xFFFFFE30]  }
0x186: {  	v8 =	vadd.s32 $0x300, v46;
	v9 =	vadd.s32 $0x300, v47;
	v61 =	vld.idx.msk [tilespmem:v1+s13+$0x0], $0xffff;
	v4 =	vadd.s32 $0x380, v45  }
0x187: {  	v45 =	vadd.s32 $0x380, v46;
	v46 =	vadd.s32 $0x380, v47;
	v47 =	vld [tilespmem:s23+$0xFFFFFE40];
	v3 =	vmul.f32 v3, v60  }
0x188: {  	v31 =	vadd.s32 $0x180, v44;
	v26 =	vadd.s32 $0x200, v44;
	v60 =	vld [tilespmem:s23+$0xFFFFFE50];
	v0 =	vmul.f32 v0, v52  }
0x189: {  	v17 =	vadd.s32 $0x280, v44;
	v12 =	vadd.s32 $0x300, v44;
	v62 =	vmul.f32 v63, v62;
	v63 =	vld [tilespmem:s23+$0xFFFFFE60];
	[tilespmem:s23+$0xFFFFFE00] =	vst v3  }
0x18a: {  	v44 =	vadd.s32 $0x100, v21;
	v3 =	vmul.f32 v43, v54;
	[tilespmem:s23+$0xFFFFFE10] =	vst v0;
	v0 =	vmul.f32 v2, v57;
	v2 =	vld [tilespmem:s23+$0xFFFFFF70]  }
0x18b: {  	v57 =	vld [tilespmem:s23+$0xF0]  }
0x18c: {  	[tilespmem:s23+$0xFFFFFE20] =	vst v3;
	v3 =	vmul.f32 v47, v58;
	v47 =	vld.idx.msk [tilespmem:v48+s13+$0x0], $0xffff  }
0x18d: {  	[tilespmem:s23+$0xFFFFFEF0] =	vst v62;
	v62 =	vld [tilespmem:s23+$0xFFFFFE80]  }
0x18e: {  	v58 =	vld [tilespmem:s23+$0xFFFFFF00]  }
0x18f: {  	v54 =	vld.idx.msk [tilespmem:v44+s13+$0x0], $0xffff  }
0x190: {  	v44 =	vld.idx.msk [tilespmem:v56+s13+$0x0], $0xffff  }
0x191: {  	[tilespmem:s23+$0xFFFFFE30] =	vst v0;
	v48 =	vld.idx.msk [tilespmem:v49+s13+$0x0], $0xffff  }
0x192: {  	v50 =	vld.idx.msk [tilespmem:v50+s13+$0x0], $0xffff  }
0x193: {  	v49 =	vld [tilespmem:s23+$0xFFFFFFF0]  }
0x194: {  	v0 =	vmul.f32 v60, v59;
	v60 =	vld [tilespmem:s23+$0xFFFFFEB0]  }
0x195: {  	v59 =	vld [tilespmem:s23+$0xFFFFFF10];
	[tilespmem:s23+$0xFFFFFE40] =	vst v3  }
0x196: {  	v55 =	vadd.s32 $0x80, v1;
	[tilespmem:s23+$0xFFFFFE50] =	vst v0;
	v0 =	vld.idx.msk [tilespmem:v51+s13+$0x0], $0xffff  }
0x197: {  	v3 =	vmul.f32 v63, v61;
	v63 =	vld [tilespmem:s23+$0xFFFFFE90]  }
0x198: {  	v61 =	vadd.s32 $0x180, v21;
	v51 =	vld [tilespmem:s23+$0x50]  }
0x199: {  	[tilespmem:s23+$0xFFFFFE60] =	vst v3;
	v3 =	vld.idx.msk [tilespmem:v53+s13+$0x0], $0xffff  }
0x19a: {  	v53 =	vld [tilespmem:s23+$0xFFFFFEA0];
	v2 =	vmul.f32 v2, v54  }
0x19b: {  	v43 =	vld.idx.msk [tilespmem:v55+s13+$0x0], $0xffff  }
0x19c: {  	v44 =	vmul.f32 v62, v44;
	v62 =	vld [tilespmem:s23+$0xFFFFFED0];
	[tilespmem:s23+$0xFFFFFF70] =	vst v2  }
0x19d: {  	v2 =	vld.idx.msk [tilespmem:v61+s13+$0x0], $0xffff  }
0x19e: {  	v61 =	vld [tilespmem:s23+$0xFFFFFEC0]  }
0x19f: {  	v47 =	vmul.f32 v63, v47;
	v63 =	vld [tilespmem:s23+$0xFFFFFEE0]  }
0x1a0: {  	[tilespmem:s23+$0xFFFFFE80] =	vst v44;
	v44 =	vld [tilespmem:s23+$0xFFFFFFE0]  }
0x1a1: {  	v42 =	vld.idx.msk [tilespmem:v42+s13+$0x0], $0xffff  }
0x1a2: {  	v3 =	vmul.f32 v62, v3;
	v62 =	vld [tilespmem:s23+$0xFFFFFF30];
	v2 =	vmul.f32 v49, v2  }
0x1a3: {  	v0 =	vmul.f32 v61, v0;
	v49 =	vld [tilespmem:s23+$0x30]  }
0x1a4: {  	v54 =	vadd.s32 $0x200, v21;
	[tilespmem:s23+$0xFFFFFFF0] =	vst v2;
	v2 =	vmul.f32 v53, v48;
	v53 =	vmul.f32 v60, v50;
	v60 =	vld [tilespmem:s23+$0xFFFFFF20]  }
0x1a5: {  	[tilespmem:s23+$0xFFFFFEC0] =	vst v0;
	v0 =	vmul.f32 v63, v43;
	v63 =	vld [tilespmem:s23+$0xFFFFFF40]  }
0x1a6: {  	v43 =	vld [tilespmem:s23+$0xFFFFFFD0]  }
0x1a7: {  	v48 =	vld [tilespmem:s23+$0x10]  }
0x1a8: {  	v50 =	vld [tilespmem:s23+$0x40]  }
0x1a9: {  	v52 =	vld.idx.msk [tilespmem:v54+s13+$0x0], $0xffff  }
0x1aa: {  	v54 =	vld [tilespmem:s23+$0x70]  }
0x1ab: {  	[tilespmem:s23+$0xFFFFFED0] =	vst v3;
	v3 =	vld.idx.msk [tilespmem:v39+s13+$0x0], $0xffff  }
0x1ac: {  	v41 =	vadd.s32 $0x100, v1;
	[tilespmem:s23+$0xFFFFFE90] =	vst v47;
	v39 =	vld.idx.msk [tilespmem:v40+s13+$0x0], $0xffff  }
0x1ad: {  	v56 =	vadd.s32 $0x280, v21;
	[tilespmem:s23+$0xFFFFFEA0] =	vst v2;
	v2 =	vld.idx.msk [tilespmem:v36+s13+$0x0], $0xffff  }
0x1ae: {  	[tilespmem:s23+$0xFFFFFEB0] =	vst v53;
	v53 =	vld [tilespmem:s23+$0xFFFFFF50]  }
0x1af: {  	[tilespmem:s23+$0xFFFFFEE0] =	vst v0;
	v55 =	vld.idx.msk [tilespmem:v38+s13+$0x0], $0xffff;
	v0 =	vmul.f32 v54, v52  }
0x1b0: {  	v37 =	vld.idx.msk [tilespmem:v37+s13+$0x0], $0xffff  }
0x1b1: {  	v40 =	vld.idx.msk [tilespmem:v41+s13+$0x0], $0xffff;
	[tilespmem:s23+$0x70] =	vst v0  }
0x1b2: {  	v0 =	vld.idx.msk [tilespmem:v56+s13+$0x0], $0xffff  }
0x1b3: {  	v41 =	vld [tilespmem:s23+$0xFFFFFFC0];
	v52 =	vmul.f32 v58, v42  }
0x1b4: {  	v54 =	vld [tilespmem:s23+$0xFFFFFF60];
	v2 =	vmul.f32 v59, v2  }
0x1b5: {  	v61 =	vadd.s32 $0x300, v21;
	[tilespmem:s23+$0xFFFFFF00] =	vst v52;
	v52 =	vld [tilespmem:s23+$0x60]  }
0x1b6: {  	[tilespmem:s23+$0xFFFFFF10] =	vst v2;
	v2 =	vmul.f32 v62, v37;
	v56 =	vld [tilespmem:s23+$0x170]  }
0x1b7: {  	v35 =	vld.idx.msk [tilespmem:v35+s13+$0x0], $0xffff;
	v0 =	vmul.f32 v57, v0  }
0x1b8: {  	v62 =	vld [tilespmem:s23+$0xFFFFFF90];
	[tilespmem:s23+$0xFFFFFF30] =	vst v2;
	v2 =	vmul.f32 v53, v39  }
0x1b9: {  	v53 =	vld [tilespmem:s23+$0x80];
	[tilespmem:s23+$0xF0] =	vst v0;
	v0 =	vmul.f32 v60, v55  }
0x1ba: {  	[tilespmem:s23+$0xFFFFFF50] =	vst v2;
	v55 =	vld.idx.msk [tilespmem:v61+s13+$0x0], $0xffff  }
0x1bb: {  	v30 =	vld.idx.msk [tilespmem:v30+s13+$0x0], $0xffff;
	[tilespmem:s23+$0xFFFFFF20] =	vst v0;
	v0 =	vmul.f32 v63, v3  }
0x1bc: {  	v58 =	vld.idx.msk [tilespmem:v33+s13+$0x0], $0xffff  }
0x1bd: {  	v21 =	vadd.s32 $0x380, v21;
	v60 =	vld [tilespmem:s23+$0x1F0];
	[tilespmem:s23+$0xFFFFFF40] =	vst v0;
	v0 =	vmul.f32 v54, v40  }
0x1be: {  	v61 =	vld [tilespmem:s23+$0xFFFFFF80]  }
0x1bf: {  	v3 =	vld.idx.msk [tilespmem:v29+s13+$0x0], $0xffff;
	[tilespmem:s23+$0xFFFFFF60] =	vst v0;
	v0 =	vmul.f32 v56, v55  }
0x1c0: {  	v63 =	vld [tilespmem:s23+$0xFFFFFFA0]  }
0x1c1: {  	v57 =	vld.idx.msk [tilespmem:v31+s13+$0x0], $0xffff;
	[tilespmem:s23+$0x170] =	vst v0  }
0x1c2: {  	v0 =	vld.idx.msk [tilespmem:v21+s13+$0x0], $0xffff  }
0x1c3: {  	v40 =	vld [tilespmem:s23+$0xFFFFFFB0]  }
0x1c4: {  	v2 =	vld.idx.msk [tilespmem:v32+s13+$0x0], $0xffff  }
0x1c5: {  	v34 =	vadd.s32 $0x180, v1;
	v42 =	vmul.f32 v61, v35;
	v55 =	vld [tilespmem:s23+$0xA0]  }
0x1c6: {  	v56 =	vld [tilespmem:s23+$0xB0]  }
0x1c7: {  	v61 =	vld [tilespmem:s23+$0x140];
	[tilespmem:s23+$0xFFFFFF80] =	vst v42;
	v0 =	vmul.f32 v60, v0  }
0x1c8: {  	v3 =	vmul.f32 v62, v3;
	v28 =	vld.idx.msk [tilespmem:v28+s13+$0x0], $0xffff  }
0x1c9: {  	v47 =	vmul.f32 v63, v57;
	[tilespmem:s23+$0x1F0] =	vst v0;
	v0 =	vld [tilespmem:s23+$0x0]  }
0x1ca: {  	v59 =	vld.idx.msk [tilespmem:v34+s13+$0x0], $0xffff;
	[tilespmem:s23+$0xFFFFFF90] =	vst v3;
	v3 =	vmul.f32 v40, v30  }
0x1cb: {  	v27 =	vld.idx.msk [tilespmem:v27+s13+$0x0], $0xffff;
	[tilespmem:s23+$0xFFFFFFA0] =	vst v47;
	v2 =	vmul.f32 v41, v2  }
0x1cc: {  	v21 =	vld.idx.msk [tilespmem:v26+s13+$0x0], $0xffff;
	[tilespmem:s23+$0xFFFFFFB0] =	vst v3;
	v3 =	vmul.f32 v43, v58  }
0x1cd: {  	v22 =	vadd.s32 $0x200, v1;
	v24 =	vld.idx.msk [tilespmem:v24+s13+$0x0], $0xffff;
	[tilespmem:s23+$0xFFFFFFC0] =	vst v2  }
0x1ce: {  	v25 =	vld.idx.msk [tilespmem:v25+s13+$0x0], $0xffff;
	[tilespmem:s23+$0xFFFFFFD0] =	vst v3;
	v0 =	vmul.f32 v0, v28  }
0x1cf: {  	v2 =	vmul.f32 v44, v59;
	v3 =	vld.idx.msk [tilespmem:v23+s13+$0x0], $0xffff  }
0x1d0: {  	[tilespmem:s23+$0x0] =	vst v0;
	v0 =	vld [tilespmem:s23+$0x20]  }
0x1d1: {  	[tilespmem:s23+$0xFFFFFFE0] =	vst v2;
	v20 =	vld.idx.msk [tilespmem:v20+s13+$0x0], $0xffff  }
0x1d2: {  	v2 =	vld.idx.msk [tilespmem:v22+s13+$0x0], $0xffff;
	v22 =	vmul.f32 v48, v27  }
0x1d3: {  	v57 =	vld [tilespmem:s23+$0xC0];
	v54 =	vmul.f32 v49, v24  }
0x1d4: {  	v63 =	vld [tilespmem:s23+$0x180];
	[tilespmem:s23+$0x10] =	vst v22;
	v3 =	vmul.f32 v51, v3  }
0x1d5: {  	v58 =	vld [tilespmem:s23+$0xD0];
	[tilespmem:s23+$0x30] =	vst v54;
	v0 =	vmul.f32 v0, v21  }
0x1d6: {  	v59 =	vld [tilespmem:s23+$0xE0];
	[tilespmem:s23+$0x50] =	vst v3;
	v3 =	vmul.f32 v53, v20  }
0x1d7: {  	v15 =	vadd.s32 $0x280, v1;
	v19 =	vld.idx.msk [tilespmem:v19+s13+$0x0], $0xffff;
	[tilespmem:s23+$0x20] =	vst v0;
	v0 =	vmul.f32 v50, v25  }
0x1d8: {  	[tilespmem:s23+$0x80] =	vst v3;
	v3 =	vld [tilespmem:s23+$0x90]  }
0x1d9: {  	v17 =	vld.idx.msk [tilespmem:v17+s13+$0x0], $0xffff;
	[tilespmem:s23+$0x40] =	vst v0;
	v0 =	vmul.f32 v52, v2  }
0x1da: {  	v18 =	vld.idx.msk [tilespmem:v18+s13+$0x0], $0xffff  }
0x1db: {  	v2 =	vld.idx.msk [tilespmem:v16+s13+$0x0], $0xffff;
	[tilespmem:s23+$0x60] =	vst v0  }
0x1dc: {  	v0 =	vld.idx.msk [tilespmem:v15+s13+$0x0], $0xffff  }
0x1dd: {  	v14 =	vld.idx.msk [tilespmem:v14+s13+$0x0], $0xffff;
	v3 =	vmul.f32 v3, v19  }
0x1de: {  	v60 =	vld [tilespmem:s23+$0x100];
	v15 =	vmul.f32 v55, v17  }
0x1df: {  	v7 =	vadd.s32 $0x300, v1;
	v13 =	vld.idx.msk [tilespmem:v13+s13+$0x0], $0xffff;
	[tilespmem:s23+$0x90] =	vst v3;
	v3 =	vmul.f32 v56, v18  }
0x1e0: {  	[tilespmem:s23+$0xA0] =	vst v15;
	v2 =	vmul.f32 v57, v2;
	v11 =	vld.idx.msk [tilespmem:v11+s13+$0x0], $0xffff  }
0x1e1: {  	v12 =	vld.idx.msk [tilespmem:v12+s13+$0x0], $0xffff;
	[tilespmem:s23+$0xB0] =	vst v3;
	v0 =	vmul.f32 v59, v0  }
0x1e2: {  	v3 =	vmul.f32 v58, v14;
	[tilespmem:s23+$0xC0] =	vst v2;
	v10 =	vld.idx.msk [tilespmem:v10+s13+$0x0], $0xffff  }
0x1e3: {  	v2 =	vld.idx.msk [tilespmem:v8+s13+$0x0], $0xffff;
	[tilespmem:s23+$0xE0] =	vst v0  }
0x1e4: {  	[tilespmem:s23+$0xD0] =	vst v3;
	v3 =	vmul.f32 v60, v13;
	v0 =	vld.idx.msk [tilespmem:v7+s13+$0x0], $0xffff  }
0x1e5: {  	v7 =	vld [tilespmem:s23+$0x120]  }
0x1e6: {  	[tilespmem:s23+$0x100] =	vst v3;
	v3 =	vld [tilespmem:s23+$0x110]  }
0x1e7: {  	v8 =	vld.idx.msk [tilespmem:v9+s13+$0x0], $0xffff  }
0x1e8: {  	v9 =	vld [tilespmem:s23+$0x130]  }
0x1e9: {  	v6 =	vld.idx.msk [tilespmem:v6+s13+$0x0], $0xffff;
	v2 =	vmul.f32 v61, v2  }
0x1ea: {  	v62 =	vld [tilespmem:s23+$0x150]  }
0x1eb: {  	v7 =	vmul.f32 v7, v12;
	[tilespmem:s23+$0x140] =	vst v2;
	v3 =	vmul.f32 v3, v11;
	v11 =	vld [tilespmem:s23+$0x160]  }
0x1ec: {  	v2 =	vld.idx.msk [tilespmem:v45+s13+$0x0], $0xffff  }
0x1ed: {  	[tilespmem:s23+$0x120] =	vst v7;
	v7 =	vld [tilespmem:s23+$0x1C0]  }
0x1ee: {  	v6 =	vmul.f32 v63, v6;
	[tilespmem:s23+$0x110] =	vst v3;
	v3 =	vmul.f32 v9, v10;
	v9 =	vld [tilespmem:s23+$0x1A0]  }
0x1ef: {  	v10 =	vld.idx.msk [tilespmem:v5+s13+$0x0], $0xffff  }
0x1f0: {  	v1 =	vadd.s32 $0x380, v1;
	v5 =	vld [tilespmem:$0x1FFF0];
	[tilespmem:s23+$0x180] =	vst v6  }
0x1f1: {  	v6 =	vld [tilespmem:s23+$0x190];
	[tilespmem:s23+$0x130] =	vst v3;
	v3 =	vmul.f32 v62, v8  }
0x1f2: {  	s24 =	sadd.s32 $0x8, s24;
	v8 =	vld [tilespmem:s23+$0x1B0];
	v0 =	vmul.f32 v11, v0  }
0x1f3: {  	p1 =	slt.u32 s24, $0xF8;
	v4 =	vld.idx.msk [tilespmem:v4+s13+$0x0], $0xffff;
	[tilespmem:s23+$0x150] =	vst v3  }
.Ltmp8:
0x1f4: {  	v3 =	vld.idx.msk [tilespmem:v46+s13+$0x0], $0xffff;
	[tilespmem:s23+$0x160] =	vst v0;
	(pc) =	sbr.rel @p1 .LBB2_10-.Ltmp8, $4  }
0x1f5: {  	v0 =	vld.idx.msk [tilespmem:v1+s13+$0x0], $0xffff  }
0x1f6: {  	v1 =	vld [tilespmem:s23+$0x1D0]  }
0x1f7: {  	v10 =	vmul.f32 v6, v10;
	v6 =	vld [tilespmem:s23+$0x1E0]  }
0x1f8: {  	s25 =	sadd.s32 $0x80, s25;
	v5 =	vld.idx.msk [tilespmem:v5+s13+$0x0], $0xffff  }
0x1f9: {  	v4 =	vmul.f32 v8, v4  }
0x1fa: {  	[tilespmem:s23+$0x190] =	vst v10;
	v2 =	vmul.f32 v7, v2  }
.Ltmp9:
0x1fb: {  	[tilespmem:s23+$0x1B0] =	vst v4;
	v1 =	vmul.f32 v1, v3;
	(pc) =	sbr.rel @p0 .LBB2_15-.Ltmp9, $4  }
0x1fc: {  	[tilespmem:s23+$0x1C0] =	vst v2;
	v0 =	vmul.f32 v6, v0  }
0x1fd: {  	v5 =	vmul.f32 v9, v5;
	[tilespmem:s23+$0x1D0] =	vst v1  }
0x1fe: {  	[tilespmem:s23+$0x1E0] =	vst v0  }
0x1ff: {  	[tilespmem:s23+$0x1A0] =	vst v5  }
0x200: {  	s23 =	simm.s32 $0x0;
	s28 =	simm.s32 $0x19  }
0x201: {  	p0 =	sge.s32 s22, $0x19;
	s26 =	simm.s32 $0x1;
	s24 =	simm.s32 $0x0  }
0x202: {  	s25 =	simm.s32 $0x18;
	s26 =	simm.s32 @!p0 $0x0;
	s24 =	smov.u32 @p0 s28  }
.LBB2_13:
0x203: {  	p0 =	sne.s32 s25, $0x1;
	s25 =	sadd.s32 $0xFFFFFFFF, s25;
	s23 =	sadd.s32 s26, s23  }
.Ltmp10:
0x204: {  	(pc) =	sbr.rel @p0 .LBB2_13-.Ltmp10, $4  }
0x205: {  	s26 =	ssub.s32 s24, s23  }
0x206: {  	s28 =	sadd.s32 $0x19, s26  }
0x207: {  	s26 =	simm.s32 $0x1;
	p1 =	sle.s32 s28, s22  }
0x208: {  	s26 =	simm.s32 @!p1 $0x0;
	s24 =	smov.u32 @p1 s28  }
0x209: {  	s23 =	sadd.s32 s26, s23  }
0x20a: {  	s22 =	ssub.s32 s22, s24;
	s29 =	sshll.u32 s23, $0x1  }
0x20b: {  	s22 =	sadd.s32 s22, s23;
	s30 =	sor.u32 s6, s29  }
0x20c: {  	s22 =	sadd.s32 $0x1, s22;
	s23 =	smul.u32 $0xD0000, s30  }
0x20d: {  	s31 =	sshll.u32 s22, $0xF  }
0x20e: {  	s23 =	sadd.s32 s23, s31  }
.Ltmp11:
0x20f: {  	s22 =	sshll.u32 s22, $0x9;
	s23 =	sshrl.u32 s23, $0x3;
	(pc) =	sbr.rel .LBB2_15-.Ltmp11, $4  }
0x210: {  	s22 =	sand.u32 $0x1FFFFE00, s22;
	s23 =	sadd.s32 s1, s23  }
0x211: {  	[tilespmem:s13], [sflag:$0x2] =	stream.linear.gather [hbm4b:s23+s4], $0x8000, $0x38;
	[tilespmem:$0x1A000] =	vst v63  }
0x212: {  	s22 =	sadd.s32 s5, s22  }
0x213: {  	[tilespmem:s14], [sflag:$0x2] =	stream.linear.gather [hbm4b:s22+s4], $0x1000, $0x38;
	[tilespmem:$0x1A000] =	vst v63  }
.LBB2_18:
0x214: {  	_ =	sfence.sel $0x180000  }
0x215: {  	[bflag:$0x0] =	sbarrier.arrive $0xFFFF  }
0x216: {  	p0 =	sne.s32 s3, $0x0;
	_ =	strace $0x90000047  }
0x217: {  	s0 =	sadd.s32 @!p0 $0x100000, s0;
	[bflag:$0x2] =	sbarrier.arrive $0xFFFF  }
0x218: {  	[sflag:s0] =	ssyncadd.tile.s32 @!p0 $0x1;
	_ =	shalt  }
.Lfunc_end2:
_tile_overlayer_lowered:
.L_overlay_start_2:
0x219: {  	(tag) =	ssettag $0x2  }
0x21a: {  	s0 =	rddreg [dreg:$0x0];
	s2 =	stileid.u32  }
0x21b: {  	s1 =	rddreg [dreg:$0x1];
	p0 =	sne.s32 s2, $0x0  }
0x21c: {  	s3 =	rddreg [dreg:$0x2];
	[bflag:$0x3] =	sbarrier.arrive $0xFFFF;
	s2 =	simm.s32 @!p0 $0x1C04  }
0x21d: {  	[timem:s3], [sflag:s2] =	dma.local @!p0 [hbm:s0], s1  }
0x21e: {  	s0 =	simm.s32 @!p0 $0x4  }
0x21f: {  	_ =	swait.ge @!p0 [sflag:s0], s1  }
0x220: {  	s1 =	ssub.s32 @!p0 $0x0, s1;
	[sflag:s0] =	ssyncset.done @!p0 $0x0  }
0x221: {  	[sflag:s0] =	ssyncadd.s32 @!p0 s1  }
0x222: {  	[bflag:$0x3] =	sbarrier.arrive $0xFFFF  }
0x223: {  	_ =	shalt  }

</sc_bundles>
